<compile_context>
chip_gen: v7x
topology: tpu7x:2x2x1
jax: 0.10.2.dev20260603
libtpu: 0.0.44.dev20260713+nightly
codegen_flags: <defaults>
</compile_context>

<pallas_src>
import functools

import jax
import jax.numpy as jnp
from jax import lax
from jax.experimental import pallas as pl
from jax.experimental.pallas import tpu as pltpu, tpu_sc as plsc

B = 256
N_IN = 65536
N_OUT = 65536

NC = 2
NS = 16
NW = NC * NS
L = 16

ROWS_PER_W = B // NW
CHUNK = 8192
N_CHUNKS = N_OUT // CHUNK
DEPTH = 3


def _sampler_body(act_hbm, pidx_hbm, out_hbm, row_buf, idx_shared,
                  idx_bufs, out_bufs, sem_act, idx_sems, out_sems):
    sid = lax.axis_index("s")
    wid = sid * NC + lax.axis_index("c")
    row0 = wid * ROWS_PER_W

    @pl.when(sid == 0)
    def _():
        pltpu.sync_copy(pidx_hbm, idx_shared)
    plsc.subcore_barrier()

    def compute_chunk(idx_buf, out_buf):
        @plsc.parallel_loop(0, CHUNK // L, unroll=16)
        def grp(j):
            off = pl.multiple_of(j * L, L)
            packed = idx_buf[pl.ds(off, L)]
            i0 = lax.bitwise_and(packed, jnp.int32(0xFFFF))
            i1 = lax.shift_right_logical(packed, jnp.int32(16))
            s0 = plsc.load_gather(row_buf, [i0])
            s1 = plsc.load_gather(row_buf, [i1])
            out_buf[pl.ds(off, L)] = 1.0 - s0 * s1

    def row_body(r, carry):
        row = row0 + r
        act_h = pltpu.async_copy(act_hbm.at[row], row_buf, sem_act)
        idx_h = [None] * N_CHUNKS
        out_h = [None] * N_CHUNKS
        for k in range(DEPTH):
            idx_h[k] = pltpu.async_copy(
                idx_shared.at[pl.ds(k * CHUNK, CHUNK)],
                idx_bufs[k % DEPTH], idx_sems[k % DEPTH])
        act_h.wait()
        for c in range(N_CHUNKS):
            p = c % DEPTH
            idx_h[c].wait()
            if c >= DEPTH:
                out_h[c - DEPTH].wait()
            compute_chunk(idx_bufs[p], out_bufs[p])
            if c + DEPTH < N_CHUNKS:
                idx_h[c + DEPTH] = pltpu.async_copy(
                    idx_shared.at[pl.ds((c + DEPTH) * CHUNK, CHUNK)],
                    idx_bufs[p], idx_sems[p])
            out_h[c] = pltpu.async_copy(
                out_bufs[p], out_hbm.at[row, pl.ds(c * CHUNK, CHUNK)],
                out_sems[p])
        for c in range(N_CHUNKS - DEPTH, N_CHUNKS):
            out_h[c].wait()
        return carry

    lax.fori_loop(0, ROWS_PER_W, row_body, 0)


@functools.partial(
    pl.kernel,
    out_type=jax.ShapeDtypeStruct((B, N_OUT), jnp.float32),
    mesh=plsc.VectorSubcoreMesh(core_axis_name="c", subcore_axis_name="s"),
    scratch_types=[
        pltpu.VMEM((N_IN,), jnp.float32),
        pltpu.VMEM_SHARED((N_OUT,), jnp.int32),
        pltpu.VMEM((CHUNK,), jnp.int32),
        pltpu.VMEM((CHUNK,), jnp.int32),
        pltpu.VMEM((CHUNK,), jnp.int32),
        pltpu.VMEM((CHUNK,), jnp.float32),
        pltpu.VMEM((CHUNK,), jnp.float32),
        pltpu.VMEM((CHUNK,), jnp.float32),
        pltpu.SemaphoreType.DMA,
        pltpu.SemaphoreType.DMA,
        pltpu.SemaphoreType.DMA,
        pltpu.SemaphoreType.DMA,
        pltpu.SemaphoreType.DMA,
        pltpu.SemaphoreType.DMA,
        pltpu.SemaphoreType.DMA,
    ],
    compiler_params=pltpu.CompilerParams(needs_layout_passes=False),
)
def _sampler_kernel(act_hbm, pidx_hbm, out_hbm, row_buf, idx_shared,
                    idx_a, idx_b, idx_c, out_a, out_b, out_c,
                    sem_act, sem_i0, sem_i1, sem_i2,
                    sem_o0, sem_o1, sem_o2):
    _sampler_body(act_hbm, pidx_hbm, out_hbm, row_buf, idx_shared,
                  (idx_a, idx_b, idx_c), (out_a, out_b, out_c),
                  sem_act, (sem_i0, sem_i1, sem_i2),
                  (sem_o0, sem_o1, sem_o2))


def kernel(activations, sample_indices):
    idx = sample_indices.astype(jnp.int32)
    packed = jnp.bitwise_or(idx[:, 0], jnp.left_shift(idx[:, 1], 16))
    return _sampler_kernel(activations, packed)

# --- scband reference (transcript-rebuilt; emitter-appended) ---
"""Pipeline reference for scband-sampler-layer-28681791602827 (READ-ONLY COPY).

The authoritative reference and input builder live on the scoring server;
editing this copy changes nothing except your own understanding.
"""

import jax, jax.numpy as jnp
import numpy as np

N_IN = 65536
N_OUT = 65536
DEGREE = 2
BATCH = 256

def setup_inputs(seed: int = 0) -> dict:
    key = jax.random.key(seed)
    k1, k2 = jax.random.split(key)
    # fuzzy-logic activations live in [0, 1]
    activations = jax.random.uniform(k1, (BATCH, N_IN), dtype=jnp.float32)
    # learned sampling parameters: integer sample points per output neuron
    sample_indices = jax.random.randint(k2, (N_OUT, DEGREE), 0, N_IN, dtype=jnp.int64)
    return {"activations": activations, "sample_indices": sample_indices}

def reference(activations, sample_indices):
    # Sampler: each of the N_OUT neurons gathers `degree` samples from the input
    flat_idx = sample_indices.reshape(-1)  # [N_OUT * DEGREE]
    samples = jnp.take(activations, flat_idx, axis=1)  # [B, N_OUT*DEGREE]
    samples = samples.reshape(activations.shape[0], N_OUT, DEGREE)
    # Aggregator: fuzzy NAND over the degree dimension -> 1 - prod(x)
    out = 1.0 - jnp.prod(samples, axis=-1)  # [B, N_OUT]
    return out

if __name__ == "__main__":
    import jax
    _d = setup_inputs()
    print(jax.jit(kernel)(*tuple(_d.values())))

</pallas_src>

<mosaic_0001>
#map = affine_map<(d0, d1) -> (0, 0)>
#map1 = affine_map<(d0, d1) -> (0)>
module attributes {stable_mosaic.version = 14 : i64} {
  func.func @_sampler_kernel(%arg0: i32, %arg1: i32, %arg2: memref<256x65536xf32, #tpu.memory_space<hbm>>, %arg3: memref<65536xi32, #tpu.memory_space<hbm>>, %arg4: memref<256x65536xf32, #tpu.memory_space<hbm>>, %arg5: memref<65536xf32, #tpu.memory_space<vmem>>, %arg6: memref<65536xi32, #tpu.memory_space<vmem_shared>>, %arg7: memref<8192xi32, #tpu.memory_space<vmem>>, %arg8: memref<8192xi32, #tpu.memory_space<vmem>>, %arg9: memref<8192xi32, #tpu.memory_space<vmem>>, %arg10: memref<8192xf32, #tpu.memory_space<vmem>>, %arg11: memref<8192xf32, #tpu.memory_space<vmem>>, %arg12: memref<8192xf32, #tpu.memory_space<vmem>>, %arg13: memref<!tpu.dma_semaphore, #tpu.memory_space<semaphore_mem>>, %arg14: memref<!tpu.dma_semaphore, #tpu.memory_space<semaphore_mem>>, %arg15: memref<!tpu.dma_semaphore, #tpu.memory_space<semaphore_mem>>, %arg16: memref<!tpu.dma_semaphore, #tpu.memory_space<semaphore_mem>>, %arg17: memref<!tpu.dma_semaphore, #tpu.memory_space<semaphore_mem>>, %arg18: memref<!tpu.dma_semaphore, #tpu.memory_space<semaphore_mem>>, %arg19: memref<!tpu.dma_semaphore, #tpu.memory_space<semaphore_mem>>) attributes {dimension_semantics = [#tpu.dimension_semantics<core_parallel>, #tpu.dimension_semantics<subcore_parallel>], iteration_bounds = array<i64: 2, 16>, scalar_prefetch = 0 : i64, scratch_operands = 15 : i64, tpu.core_type = #tpu.core_type<sc_vector_subcore>, window_params = [{transform_indices = #map}, {transform_indices = #map1}, {transform_indices = #map}]} {
    %mul3A = arith.constant 2 : i32
    %mul3A_0 = arith.muli %arg1, %mul3A : i32
    %add3A = arith.addi %mul3A_0, %arg0 : i32
    %mul3A_1 = arith.constant 8 : i32
    %mul3A_2 = arith.muli %add3A, %mul3A_1 : i32
    %eq3A = arith.constant 0 : i32
    %eq3A_3 = arith.cmpi eq, %arg1, %eq3A : i32
    %convert_element_type3A = arith.extui %eq3A_3 : i1 to i32
    %cond3A = arith.constant 0 : i32
    %cond3A_4 = arith.cmpi ne, %convert_element_type3A, %cond3A : i32
    scf.if %cond3A_4 {
      "tpu.region"() ({
        %run_scoped3A = tpu.sem_alloc : memref<!tpu.dma_semaphore, #tpu.memory_space<semaphore_mem>>
        tpu.enqueue_dma source(%arg3 : memref<65536xi32, #tpu.memory_space<hbm>>) target(%arg6 : memref<65536xi32, #tpu.memory_space<vmem_shared>>) target_semaphore(%run_scoped3A : memref<!tpu.dma_semaphore, #tpu.memory_space<semaphore_mem>>)
        tpu.wait_dma2 semaphore(%run_scoped3A : memref<!tpu.dma_semaphore, #tpu.memory_space<semaphore_mem>>) src(%arg3 : memref<65536xi32, #tpu.memory_space<hbm>>) dst(%arg6 : memref<65536xi32, #tpu.memory_space<vmem_shared>>)
        tpu.yield
      }) : () -> ()
    } else {
    }
    %barrier3A = arith.constant 0 : index
    tpu.barrier barrier_id(%barrier3A)
    %scan3A = arith.constant 0 : i32
    %scan3A_5 = arith.constant 0 : i32
    %scan3A_6 = arith.constant 8 : i32
    %scan3A_7 = arith.addi %scan3A_5, %scan3A_6 : i32
    %scan3A_8 = arith.constant 1 : i32
    scf.for %scan3A_10 = %scan3A_5 to %scan3A_7 step %scan3A_8  : i32 {
      %add3A_11 = arith.addi %mul3A_2, %scan3A_10 : i32
      %dma_start3A = arith.constant 0 : i32
      %dma_start3A_12 = tpu.memref_slice %arg2[%add3A_11, %dma_start3A] : memref<256x65536xf32, #tpu.memory_space<hbm>> -> memref<1x65536xf32, #tpu.memory_space<hbm>>
      %dma_start3A_13 = tpu.memref_squeeze %dma_start3A_12 : memref<1x65536xf32, #tpu.memory_space<hbm>> -> memref<65536xf32, #tpu.memory_space<hbm>>
      %dma_start3A_14 = arith.constant 0 : i32
      %dma_start3A_15 = tpu.memref_slice %arg2[%add3A_11, %dma_start3A_14] : memref<256x65536xf32, #tpu.memory_space<hbm>> -> memref<1x65536xf32, #tpu.memory_space<hbm>>
      %dma_start3A_16 = tpu.memref_squeeze %dma_start3A_15 : memref<1x65536xf32, #tpu.memory_space<hbm>> -> memref<65536xf32, #tpu.memory_space<hbm>>
      tpu.enqueue_dma source(%dma_start3A_16 : memref<65536xf32, #tpu.memory_space<hbm>>) target(%arg5 : memref<65536xf32, #tpu.memory_space<vmem>>) target_semaphore(%arg13 : memref<!tpu.dma_semaphore, #tpu.memory_space<semaphore_mem>>)
      %dma_start3A_17 = arith.constant 0 : i32
      %dma_start3A_18 = tpu.memref_slice %arg6[%dma_start3A_17] : memref<65536xi32, #tpu.memory_space<vmem_shared>> -> memref<8192xi32, #tpu.memory_space<vmem_shared>>
      %dma_start3A_19 = arith.constant 0 : i32
      %dma_start3A_20 = tpu.memref_slice %arg6[%dma_start3A_19] : memref<65536xi32, #tpu.memory_space<vmem_shared>> -> memref<8192xi32, #tpu.memory_space<vmem_shared>>
      tpu.enqueue_dma source(%dma_start3A_20 : memref<8192xi32, #tpu.memory_space<vmem_shared>>) target(%arg7 : memref<8192xi32, #tpu.memory_space<vmem>>) target_semaphore(%arg14 : memref<!tpu.dma_semaphore, #tpu.memory_space<semaphore_mem>>)
      %dma_start3A_21 = arith.constant 8192 : i32
      %dma_start3A_22 = tpu.memref_slice %arg6[%dma_start3A_21] : memref<65536xi32, #tpu.memory_space<vmem_shared>> -> memref<8192xi32, #tpu.memory_space<vmem_shared>>
      %dma_start3A_23 = arith.constant 8192 : i32
      %dma_start3A_24 = tpu.memref_slice %arg6[%dma_start3A_23] : memref<65536xi32, #tpu.memory_space<vmem_shared>> -> memref<8192xi32, #tpu.memory_space<vmem_shared>>
      tpu.enqueue_dma source(%dma_start3A_24 : memref<8192xi32, #tpu.memory_space<vmem_shared>>) target(%arg8 : memref<8192xi32, #tpu.memory_space<vmem>>) target_semaphore(%arg15 : memref<!tpu.dma_semaphore, #tpu.memory_space<semaphore_mem>>)
      %dma_start3A_25 = arith.constant 16384 : i32
      %dma_start3A_26 = tpu.memref_slice %arg6[%dma_start3A_25] : memref<65536xi32, #tpu.memory_space<vmem_shared>> -> memref<8192xi32, #tpu.memory_space<vmem_shared>>
      %dma_start3A_27 = arith.constant 16384 : i32
      %dma_start3A_28 = tpu.memref_slice %arg6[%dma_start3A_27] : memref<65536xi32, #tpu.memory_space<vmem_shared>> -> memref<8192xi32, #tpu.memory_space<vmem_shared>>
      tpu.enqueue_dma source(%dma_start3A_28 : memref<8192xi32, #tpu.memory_space<vmem_shared>>) target(%arg9 : memref<8192xi32, #tpu.memory_space<vmem>>) target_semaphore(%arg16 : memref<!tpu.dma_semaphore, #tpu.memory_space<semaphore_mem>>)
      %dma_wait3A = arith.constant 0 : i32
      %dma_wait3A_29 = tpu.memref_slice %arg2[%add3A_11, %dma_wait3A] : memref<256x65536xf32, #tpu.memory_space<hbm>> -> memref<1x65536xf32, #tpu.memory_space<hbm>>
      %dma_wait3A_30 = tpu.memref_squeeze %dma_wait3A_29 : memref<1x65536xf32, #tpu.memory_space<hbm>> -> memref<65536xf32, #tpu.memory_space<hbm>>
      %dma_wait3A_31 = arith.constant 0 : i32
      %dma_wait3A_32 = tpu.memref_slice %arg2[%add3A_11, %dma_wait3A_31] : memref<256x65536xf32, #tpu.memory_space<hbm>> -> memref<1x65536xf32, #tpu.memory_space<hbm>>
      %dma_wait3A_33 = tpu.memref_squeeze %dma_wait3A_32 : memref<1x65536xf32, #tpu.memory_space<hbm>> -> memref<65536xf32, #tpu.memory_space<hbm>>
      tpu.wait_dma2 semaphore(%arg13 : memref<!tpu.dma_semaphore, #tpu.memory_space<semaphore_mem>>) src(%dma_wait3A_33 : memref<65536xf32, #tpu.memory_space<hbm>>) dst(%arg5 : memref<65536xf32, #tpu.memory_space<vmem>>)
      %dma_wait3A_34 = arith.constant 0 : i32
      %dma_wait3A_35 = tpu.memref_slice %arg6[%dma_wait3A_34] : memref<65536xi32, #tpu.memory_space<vmem_shared>> -> memref<8192xi32, #tpu.memory_space<vmem_shared>>
      %dma_wait3A_36 = arith.constant 0 : i32
      %dma_wait3A_37 = tpu.memref_slice %arg6[%dma_wait3A_36] : memref<65536xi32, #tpu.memory_space<vmem_shared>> -> memref<8192xi32, #tpu.memory_space<vmem_shared>>
      tpu.wait_dma2 semaphore(%arg14 : memref<!tpu.dma_semaphore, #tpu.memory_space<semaphore_mem>>) src(%dma_wait3A_37 : memref<8192xi32, #tpu.memory_space<vmem_shared>>) dst(%arg7 : memref<8192xi32, #tpu.memory_space<vmem>>)
      %parallel_loop3A = arith.constant 0 : i32
      %parallel_loop3A_38 = arith.constant 512 : i32
      %parallel_loop3A_39 = arith.constant 1 : i32
      scf.for %parallel_loop3A_205 = %parallel_loop3A to %parallel_loop3A_38 step %parallel_loop3A_39  : i32 {
        %parallel_loop3A_206 = arith.constant 16 : i32
        %parallel_loop3A_207 = arith.muli %parallel_loop3A_205, %parallel_loop3A_206 : i32
        %parallel_loop3A_208 = tpu.assume_multiple %parallel_loop3A_207, 16 : i32
        %parallel_loop3A_209 = arith.index_cast %parallel_loop3A_208 : i32 to index
        %parallel_loop3A_210 = tpu.vector_load %arg7[%parallel_loop3A_209] {strides = array<i32>} : memref<8192xi32, #tpu.memory_space<vmem>>, vector<16xi32>,
        %parallel_loop3A_211 = arith.constant 65535 : i32
        %parallel_loop3A_212 = vector.broadcast %parallel_loop3A_211 : i32 to vector<16xi32>
        %parallel_loop3A_213 = arith.andi %parallel_loop3A_210, %parallel_loop3A_212 : vector<16xi32>
        %parallel_loop3A_214 = arith.constant 16 : i32
        %parallel_loop3A_215 = vector.broadcast %parallel_loop3A_214 : i32 to vector<16xi32>
        %parallel_loop3A_216 = arith.shrui %parallel_loop3A_210, %parallel_loop3A_215 : vector<16xi32>
        %parallel_loop3A_217 = tpu.vector_load_idx %arg5[%parallel_loop3A_213] : memref<65536xf32, #tpu.memory_space<vmem>>[vector<16xi32>], vector<16xf32>,
        %parallel_loop3A_218 = tpu.vector_load_idx %arg5[%parallel_loop3A_216] : memref<65536xf32, #tpu.memory_space<vmem>>[vector<16xi32>], vector<16xf32>,
        %parallel_loop3A_219 = arith.mulf %parallel_loop3A_217, %parallel_loop3A_218 : vector<16xf32>
        %parallel_loop3A_220 = arith.constant 1.000000e+00 : f32
        %parallel_loop3A_221 = vector.broadcast %parallel_loop3A_220 : f32 to vector<16xf32>
        %parallel_loop3A_222 = arith.subf %parallel_loop3A_221, %parallel_loop3A_219 : vector<16xf32>
        %parallel_loop3A_223 = arith.index_cast %parallel_loop3A_208 : i32 to index
        %parallel_loop3A_224 = tpu.vector_load %arg10[%parallel_loop3A_223] {strides = array<i32>} : memref<8192xf32, #tpu.memory_space<vmem>>, vector<16xf32>,
        tpu.vector_store %arg10[%parallel_loop3A_223], %parallel_loop3A_222 {strides = array<i32>} : memref<8192xf32, #tpu.memory_space<vmem>>, vector<16xf32>,
      } {sc.loop_unroll_factor = 16 : i64, sc.parallel_access}
      %dma_start3A_40 = arith.constant 24576 : i32
      %dma_start3A_41 = tpu.memref_slice %arg6[%dma_start3A_40] : memref<65536xi32, #tpu.memory_space<vmem_shared>> -> memref<8192xi32, #tpu.memory_space<vmem_shared>>
      %dma_start3A_42 = arith.constant 24576 : i32
      %dma_start3A_43 = tpu.memref_slice %arg6[%dma_start3A_42] : memref<65536xi32, #tpu.memory_space<vmem_shared>> -> memref<8192xi32, #tpu.memory_space<vmem_shared>>
      tpu.enqueue_dma source(%dma_start3A_43 : memref<8192xi32, #tpu.memory_space<vmem_shared>>) target(%arg7 : memref<8192xi32, #tpu.memory_space<vmem>>) target_semaphore(%arg14 : memref<!tpu.dma_semaphore, #tpu.memory_space<semaphore_mem>>)
      %dma_start3A_44 = arith.constant 0 : i32
      %dma_start3A_45 = tpu.memref_slice %arg4[%add3A_11, %dma_start3A_44] : memref<256x65536xf32, #tpu.memory_space<hbm>> -> memref<1x8192xf32, #tpu.memory_space<hbm>>
      %dma_start3A_46 = tpu.memref_squeeze %dma_start3A_45 : memref<1x8192xf32, #tpu.memory_space<hbm>> -> memref<8192xf32, #tpu.memory_space<hbm>>
      %dma_start3A_47 = arith.constant 0 : i32
      %dma_start3A_48 = tpu.memref_slice %arg4[%add3A_11, %dma_start3A_47] : memref<256x65536xf32, #tpu.memory_space<hbm>> -> memref<1x8192xf32, #tpu.memory_space<hbm>>
      %dma_start3A_49 = tpu.memref_squeeze %dma_start3A_48 : memref<1x8192xf32, #tpu.memory_space<hbm>> -> memref<8192xf32, #tpu.memory_space<hbm>>
      tpu.enqueue_dma source(%arg10 : memref<8192xf32, #tpu.memory_space<vmem>>) target(%dma_start3A_49 : memref<8192xf32, #tpu.memory_space<hbm>>) target_semaphore(%arg17 : memref<!tpu.dma_semaphore, #tpu.memory_space<semaphore_mem>>)
      %dma_wait3A_50 = arith.constant 8192 : i32
      %dma_wait3A_51 = tpu.memref_slice %arg6[%dma_wait3A_50] : memref<65536xi32, #tpu.memory_space<vmem_shared>> -> memref<8192xi32, #tpu.memory_space<vmem_shared>>
      %dma_wait3A_52 = arith.constant 8192 : i32
      %dma_wait3A_53 = tpu.memref_slice %arg6[%dma_wait3A_52] : memref<65536xi32, #tpu.memory_space<vmem_shared>> -> memref<8192xi32, #tpu.memory_space<vmem_shared>>
      tpu.wait_dma2 semaphore(%arg15 : memref<!tpu.dma_semaphore, #tpu.memory_space<semaphore_mem>>) src(%dma_wait3A_53 : memref<8192xi32, #tpu.memory_space<vmem_shared>>) dst(%arg8 : memref<8192xi32, #tpu.memory_space<vmem>>)
      %parallel_loop3A_54 = arith.constant 0 : i32
      %parallel_loop3A_55 = arith.constant 512 : i32
      %parallel_loop3A_56 = arith.constant 1 : i32
      scf.for %parallel_loop3A_205 = %parallel_loop3A_54 to %parallel_loop3A_55 step %parallel_loop3A_56  : i32 {
        %parallel_loop3A_206 = arith.constant 16 : i32
        %parallel_loop3A_207 = arith.muli %parallel_loop3A_205, %parallel_loop3A_206 : i32
        %parallel_loop3A_208 = tpu.assume_multiple %parallel_loop3A_207, 16 : i32
        %parallel_loop3A_209 = arith.index_cast %parallel_loop3A_208 : i32 to index
        %parallel_loop3A_210 = tpu.vector_load %arg8[%parallel_loop3A_209] {strides = array<i32>} : memref<8192xi32, #tpu.memory_space<vmem>>, vector<16xi32>,
        %parallel_loop3A_211 = arith.constant 65535 : i32
        %parallel_loop3A_212 = vector.broadcast %parallel_loop3A_211 : i32 to vector<16xi32>
        %parallel_loop3A_213 = arith.andi %parallel_loop3A_210, %parallel_loop3A_212 : vector<16xi32>
        %parallel_loop3A_214 = arith.constant 16 : i32
        %parallel_loop3A_215 = vector.broadcast %parallel_loop3A_214 : i32 to vector<16xi32>
        %parallel_loop3A_216 = arith.shrui %parallel_loop3A_210, %parallel_loop3A_215 : vector<16xi32>
        %parallel_loop3A_217 = tpu.vector_load_idx %arg5[%parallel_loop3A_213] : memref<65536xf32, #tpu.memory_space<vmem>>[vector<16xi32>], vector<16xf32>,
        %parallel_loop3A_218 = tpu.vector_load_idx %arg5[%parallel_loop3A_216] : memref<65536xf32, #tpu.memory_space<vmem>>[vector<16xi32>], vector<16xf32>,
        %parallel_loop3A_219 = arith.mulf %parallel_loop3A_217, %parallel_loop3A_218 : vector<16xf32>
        %parallel_loop3A_220 = arith.constant 1.000000e+00 : f32
        %parallel_loop3A_221 = vector.broadcast %parallel_loop3A_220 : f32 to vector<16xf32>
        %parallel_loop3A_222 = arith.subf %parallel_loop3A_221, %parallel_loop3A_219 : vector<16xf32>
        %parallel_loop3A_223 = arith.index_cast %parallel_loop3A_208 : i32 to index
        %parallel_loop3A_224 = tpu.vector_load %arg11[%parallel_loop3A_223] {strides = array<i32>} : memref<8192xf32, #tpu.memory_space<vmem>>, vector<16xf32>,
        tpu.vector_store %arg11[%parallel_loop3A_223], %parallel_loop3A_222 {strides = array<i32>} : memref<8192xf32, #tpu.memory_space<vmem>>, vector<16xf32>,
      } {sc.loop_unroll_factor = 16 : i64, sc.parallel_access}
      %dma_start3A_57 = arith.constant 32768 : i32
      %dma_start3A_58 = tpu.memref_slice %arg6[%dma_start3A_57] : memref<65536xi32, #tpu.memory_space<vmem_shared>> -> memref<8192xi32, #tpu.memory_space<vmem_shared>>
      %dma_start3A_59 = arith.constant 32768 : i32
      %dma_start3A_60 = tpu.memref_slice %arg6[%dma_start3A_59] : memref<65536xi32, #tpu.memory_space<vmem_shared>> -> memref<8192xi32, #tpu.memory_space<vmem_shared>>
      tpu.enqueue_dma source(%dma_start3A_60 : memref<8192xi32, #tpu.memory_space<vmem_shared>>) target(%arg8 : memref<8192xi32, #tpu.memory_space<vmem>>) target_semaphore(%arg15 : memref<!tpu.dma_semaphore, #tpu.memory_space<semaphore_mem>>)
      %dma_start3A_61 = arith.constant 8192 : i32
      %dma_start3A_62 = tpu.memref_slice %arg4[%add3A_11, %dma_start3A_61] : memref<256x65536xf32, #tpu.memory_space<hbm>> -> memref<1x8192xf32, #tpu.memory_space<hbm>>
      %dma_start3A_63 = tpu.memref_squeeze %dma_start3A_62 : memref<1x8192xf32, #tpu.memory_space<hbm>> -> memref<8192xf32, #tpu.memory_space<hbm>>
      %dma_start3A_64 = arith.constant 8192 : i32
      %dma_start3A_65 = tpu.memref_slice %arg4[%add3A_11, %dma_start3A_64] : memref<256x65536xf32, #tpu.memory_space<hbm>> -> memref<1x8192xf32, #tpu.memory_space<hbm>>
      %dma_start3A_66 = tpu.memref_squeeze %dma_start3A_65 : memref<1x8192xf32, #tpu.memory_space<hbm>> -> memref<8192xf32, #tpu.memory_space<hbm>>
      tpu.enqueue_dma source(%arg11 : memref<8192xf32, #tpu.memory_space<vmem>>) target(%dma_start3A_66 : memref<8192xf32, #tpu.memory_space<hbm>>) target_semaphore(%arg18 : memref<!tpu.dma_semaphore, #tpu.memory_space<semaphore_mem>>)
      %dma_wait3A_67 = arith.constant 16384 : i32
      %dma_wait3A_68 = tpu.memref_slice %arg6[%dma_wait3A_67] : memref<65536xi32, #tpu.memory_space<vmem_shared>> -> memref<8192xi32, #tpu.memory_space<vmem_shared>>
      %dma_wait3A_69 = arith.constant 16384 : i32
      %dma_wait3A_70 = tpu.memref_slice %arg6[%dma_wait3A_69] : memref<65536xi32, #tpu.memory_space<vmem_shared>> -> memref<8192xi32, #tpu.memory_space<vmem_shared>>
      tpu.wait_dma2 semaphore(%arg16 : memref<!tpu.dma_semaphore, #tpu.memory_space<semaphore_mem>>) src(%dma_wait3A_70 : memref<8192xi32, #tpu.memory_space<vmem_shared>>) dst(%arg9 : memref<8192xi32, #tpu.memory_space<vmem>>)
      %parallel_loop3A_71 = arith.constant 0 : i32
      %parallel_loop3A_72 = arith.constant 512 : i32
      %parallel_loop3A_73 = arith.constant 1 : i32
      scf.for %parallel_loop3A_205 = %parallel_loop3A_71 to %parallel_loop3A_72 step %parallel_loop3A_73  : i32 {
        %parallel_loop3A_206 = arith.constant 16 : i32
        %parallel_loop3A_207 = arith.muli %parallel_loop3A_205, %parallel_loop3A_206 : i32
        %parallel_loop3A_208 = tpu.assume_multiple %parallel_loop3A_207, 16 : i32
        %parallel_loop3A_209 = arith.index_cast %parallel_loop3A_208 : i32 to index
        %parallel_loop3A_210 = tpu.vector_load %arg9[%parallel_loop3A_209] {strides = array<i32>} : memref<8192xi32, #tpu.memory_space<vmem>>, vector<16xi32>,
        %parallel_loop3A_211 = arith.constant 65535 : i32
        %parallel_loop3A_212 = vector.broadcast %parallel_loop3A_211 : i32 to vector<16xi32>
        %parallel_loop3A_213 = arith.andi %parallel_loop3A_210, %parallel_loop3A_212 : vector<16xi32>
        %parallel_loop3A_214 = arith.constant 16 : i32
        %parallel_loop3A_215 = vector.broadcast %parallel_loop3A_214 : i32 to vector<16xi32>
        %parallel_loop3A_216 = arith.shrui %parallel_loop3A_210, %parallel_loop3A_215 : vector<16xi32>
        %parallel_loop3A_217 = tpu.vector_load_idx %arg5[%parallel_loop3A_213] : memref<65536xf32, #tpu.memory_space<vmem>>[vector<16xi32>], vector<16xf32>,
        %parallel_loop3A_218 = tpu.vector_load_idx %arg5[%parallel_loop3A_216] : memref<65536xf32, #tpu.memory_space<vmem>>[vector<16xi32>], vector<16xf32>,
        %parallel_loop3A_219 = arith.mulf %parallel_loop3A_217, %parallel_loop3A_218 : vector<16xf32>
        %parallel_loop3A_220 = arith.constant 1.000000e+00 : f32
        %parallel_loop3A_221 = vector.broadcast %parallel_loop3A_220 : f32 to vector<16xf32>
        %parallel_loop3A_222 = arith.subf %parallel_loop3A_221, %parallel_loop3A_219 : vector<16xf32>
        %parallel_loop3A_223 = arith.index_cast %parallel_loop3A_208 : i32 to index
        %parallel_loop3A_224 = tpu.vector_load %arg12[%parallel_loop3A_223] {strides = array<i32>} : memref<8192xf32, #tpu.memory_space<vmem>>, vector<16xf32>,
        tpu.vector_store %arg12[%parallel_loop3A_223], %parallel_loop3A_222 {strides = array<i32>} : memref<8192xf32, #tpu.memory_space<vmem>>, vector<16xf32>,
      } {sc.loop_unroll_factor = 16 : i64, sc.parallel_access}
      %dma_start3A_74 = arith.constant 40960 : i32
      %dma_start3A_75 = tpu.memref_slice %arg6[%dma_start3A_74] : memref<65536xi32, #tpu.memory_space<vmem_shared>> -> memref<8192xi32, #tpu.memory_space<vmem_shared>>
      %dma_start3A_76 = arith.constant 40960 : i32
      %dma_start3A_77 = tpu.memref_slice %arg6[%dma_start3A_76] : memref<65536xi32, #tpu.memory_space<vmem_shared>> -> memref<8192xi32, #tpu.memory_space<vmem_shared>>
      tpu.enqueue_dma source(%dma_start3A_77 : memref<8192xi32, #tpu.memory_space<vmem_shared>>) target(%arg9 : memref<8192xi32, #tpu.memory_space<vmem>>) target_semaphore(%arg16 : memref<!tpu.dma_semaphore, #tpu.memory_space<semaphore_mem>>)
      %dma_start3A_78 = arith.constant 16384 : i32
      %dma_start3A_79 = tpu.memref_slice %arg4[%add3A_11, %dma_start3A_78] : memref<256x65536xf32, #tpu.memory_space<hbm>> -> memref<1x8192xf32, #tpu.memory_space<hbm>>
      %dma_start3A_80 = tpu.memref_squeeze %dma_start3A_79 : memref<1x8192xf32, #tpu.memory_space<hbm>> -> memref<8192xf32, #tpu.memory_space<hbm>>
      %dma_start3A_81 = arith.constant 16384 : i32
      %dma_start3A_82 = tpu.memref_slice %arg4[%add3A_11, %dma_start3A_81] : memref<256x65536xf32, #tpu.memory_space<hbm>> -> memref<1x8192xf32, #tpu.memory_space<hbm>>
      %dma_start3A_83 = tpu.memref_squeeze %dma_start3A_82 : memref<1x8192xf32, #tpu.memory_space<hbm>> -> memref<8192xf32, #tpu.memory_space<hbm>>
      tpu.enqueue_dma source(%arg12 : memref<8192xf32, #tpu.memory_space<vmem>>) target(%dma_start3A_83 : memref<8192xf32, #tpu.memory_space<hbm>>) target_semaphore(%arg19 : memref<!tpu.dma_semaphore, #tpu.memory_space<semaphore_mem>>)
      %dma_wait3A_84 = arith.constant 24576 : i32
      %dma_wait3A_85 = tpu.memref_slice %arg6[%dma_wait3A_84] : memref<65536xi32, #tpu.memory_space<vmem_shared>> -> memref<8192xi32, #tpu.memory_space<vmem_shared>>
      %dma_wait3A_86 = arith.constant 24576 : i32
      %dma_wait3A_87 = tpu.memref_slice %arg6[%dma_wait3A_86] : memref<65536xi32, #tpu.memory_space<vmem_shared>> -> memref<8192xi32, #tpu.memory_space<vmem_shared>>
      tpu.wait_dma2 semaphore(%arg14 : memref<!tpu.dma_semaphore, #tpu.memory_space<semaphore_mem>>) src(%dma_wait3A_87 : memref<8192xi32, #tpu.memory_space<vmem_shared>>) dst(%arg7 : memref<8192xi32, #tpu.memory_space<vmem>>)
      %dma_wait3A_88 = arith.constant 0 : i32
      %dma_wait3A_89 = tpu.memref_slice %arg4[%add3A_11, %dma_wait3A_88] : memref<256x65536xf32, #tpu.memory_space<hbm>> -> memref<1x8192xf32, #tpu.memory_space<hbm>>
      %dma_wait3A_90 = tpu.memref_squeeze %dma_wait3A_89 : memref<1x8192xf32, #tpu.memory_space<hbm>> -> memref<8192xf32, #tpu.memory_space<hbm>>
      %dma_wait3A_91 = arith.constant 0 : i32
      %dma_wait3A_92 = tpu.memref_slice %arg4[%add3A_11, %dma_wait3A_91] : memref<256x65536xf32, #tpu.memory_space<hbm>> -> memref<1x8192xf32, #tpu.memory_space<hbm>>
      %dma_wait3A_93 = tpu.memref_squeeze %dma_wait3A_92 : memref<1x8192xf32, #tpu.memory_space<hbm>> -> memref<8192xf32, #tpu.memory_space<hbm>>
      tpu.wait_dma2 semaphore(%arg17 : memref<!tpu.dma_semaphore, #tpu.memory_space<semaphore_mem>>) src(%arg10 : memref<8192xf32, #tpu.memory_space<vmem>>) dst(%dma_wait3A_93 : memref<8192xf32, #tpu.memory_space<hbm>>)
      %parallel_loop3A_94 = arith.constant 0 : i32
      %parallel_loop3A_95 = arith.constant 512 : i32
      %parallel_loop3A_96 = arith.constant 1 : i32
      scf.for %parallel_loop3A_205 = %parallel_loop3A_94 to %parallel_loop3A_95 step %parallel_loop3A_96  : i32 {
        %parallel_loop3A_206 = arith.constant 16 : i32
        %parallel_loop3A_207 = arith.muli %parallel_loop3A_205, %parallel_loop3A_206 : i32
        %parallel_loop3A_208 = tpu.assume_multiple %parallel_loop3A_207, 16 : i32
        %parallel_loop3A_209 = arith.index_cast %parallel_loop3A_208 : i32 to index
        %parallel_loop3A_210 = tpu.vector_load %arg7[%parallel_loop3A_209] {strides = array<i32>} : memref<8192xi32, #tpu.memory_space<vmem>>, vector<16xi32>,
        %parallel_loop3A_211 = arith.constant 65535 : i32
        %parallel_loop3A_212 = vector.broadcast %parallel_loop3A_211 : i32 to vector<16xi32>
        %parallel_loop3A_213 = arith.andi %parallel_loop3A_210, %parallel_loop3A_212 : vector<16xi32>
        %parallel_loop3A_214 = arith.constant 16 : i32
        %parallel_loop3A_215 = vector.broadcast %parallel_loop3A_214 : i32 to vector<16xi32>
        %parallel_loop3A_216 = arith.shrui %parallel_loop3A_210, %parallel_loop3A_215 : vector<16xi32>
        %parallel_loop3A_217 = tpu.vector_load_idx %arg5[%parallel_loop3A_213] : memref<65536xf32, #tpu.memory_space<vmem>>[vector<16xi32>], vector<16xf32>,
        %parallel_loop3A_218 = tpu.vector_load_idx %arg5[%parallel_loop3A_216] : memref<65536xf32, #tpu.memory_space<vmem>>[vector<16xi32>], vector<16xf32>,
        %parallel_loop3A_219 = arith.mulf %parallel_loop3A_217, %parallel_loop3A_218 : vector<16xf32>
        %parallel_loop3A_220 = arith.constant 1.000000e+00 : f32
        %parallel_loop3A_221 = vector.broadcast %parallel_loop3A_220 : f32 to vector<16xf32>
        %parallel_loop3A_222 = arith.subf %parallel_loop3A_221, %parallel_loop3A_219 : vector<16xf32>
        %parallel_loop3A_223 = arith.index_cast %parallel_loop3A_208 : i32 to index
        %parallel_loop3A_224 = tpu.vector_load %arg10[%parallel_loop3A_223] {strides = array<i32>} : memref<8192xf32, #tpu.memory_space<vmem>>, vector<16xf32>,
        tpu.vector_store %arg10[%parallel_loop3A_223], %parallel_loop3A_222 {strides = array<i32>} : memref<8192xf32, #tpu.memory_space<vmem>>, vector<16xf32>,
      } {sc.loop_unroll_factor = 16 : i64, sc.parallel_access}
      %dma_start3A_97 = arith.constant 49152 : i32
      %dma_start3A_98 = tpu.memref_slice %arg6[%dma_start3A_97] : memref<65536xi32, #tpu.memory_space<vmem_shared>> -> memref<8192xi32, #tpu.memory_space<vmem_shared>>
      %dma_start3A_99 = arith.constant 49152 : i32
      %dma_start3A_100 = tpu.memref_slice %arg6[%dma_start3A_99] : memref<65536xi32, #tpu.memory_space<vmem_shared>> -> memref<8192xi32, #tpu.memory_space<vmem_shared>>
      tpu.enqueue_dma source(%dma_start3A_100 : memref<8192xi32, #tpu.memory_space<vmem_shared>>) target(%arg7 : memref<8192xi32, #tpu.memory_space<vmem>>) target_semaphore(%arg14 : memref<!tpu.dma_semaphore, #tpu.memory_space<semaphore_mem>>)
      %dma_start3A_101 = arith.constant 24576 : i32
      %dma_start3A_102 = tpu.memref_slice %arg4[%add3A_11, %dma_start3A_101] : memref<256x65536xf32, #tpu.memory_space<hbm>> -> memref<1x8192xf32, #tpu.memory_space<hbm>>
      %dma_start3A_103 = tpu.memref_squeeze %dma_start3A_102 : memref<1x8192xf32, #tpu.memory_space<hbm>> -> memref<8192xf32, #tpu.memory_space<hbm>>
      %dma_start3A_104 = arith.constant 24576 : i32
      %dma_start3A_105 = tpu.memref_slice %arg4[%add3A_11, %dma_start3A_104] : memref<256x65536xf32, #tpu.memory_space<hbm>> -> memref<1x8192xf32, #tpu.memory_space<hbm>>
      %dma_start3A_106 = tpu.memref_squeeze %dma_start3A_105 : memref<1x8192xf32, #tpu.memory_space<hbm>> -> memref<8192xf32, #tpu.memory_space<hbm>>
      tpu.enqueue_dma source(%arg10 : memref<8192xf32, #tpu.memory_space<vmem>>) target(%dma_start3A_106 : memref<8192xf32, #tpu.memory_space<hbm>>) target_semaphore(%arg17 : memref<!tpu.dma_semaphore, #tpu.memory_space<semaphore_mem>>)
      %dma_wait3A_107 = arith.constant 32768 : i32
      %dma_wait3A_108 = tpu.memref_slice %arg6[%dma_wait3A_107] : memref<65536xi32, #tpu.memory_space<vmem_shared>> -> memref<8192xi32, #tpu.memory_space<vmem_shared>>
      %dma_wait3A_109 = arith.constant 32768 : i32
      %dma_wait3A_110 = tpu.memref_slice %arg6[%dma_wait3A_109] : memref<65536xi32, #tpu.memory_space<vmem_shared>> -> memref<8192xi32, #tpu.memory_space<vmem_shared>>
      tpu.wait_dma2 semaphore(%arg15 : memref<!tpu.dma_semaphore, #tpu.memory_space<semaphore_mem>>) src(%dma_wait3A_110 : memref<8192xi32, #tpu.memory_space<vmem_shared>>) dst(%arg8 : memref<8192xi32, #tpu.memory_space<vmem>>)
      %dma_wait3A_111 = arith.constant 8192 : i32
      %dma_wait3A_112 = tpu.memref_slice %arg4[%add3A_11, %dma_wait3A_111] : memref<256x65536xf32, #tpu.memory_space<hbm>> -> memref<1x8192xf32, #tpu.memory_space<hbm>>
      %dma_wait3A_113 = tpu.memref_squeeze %dma_wait3A_112 : memref<1x8192xf32, #tpu.memory_space<hbm>> -> memref<8192xf32, #tpu.memory_space<hbm>>
      %dma_wait3A_114 = arith.constant 8192 : i32
      %dma_wait3A_115 = tpu.memref_slice %arg4[%add3A_11, %dma_wait3A_114] : memref<256x65536xf32, #tpu.memory_space<hbm>> -> memref<1x8192xf32, #tpu.memory_space<hbm>>
      %dma_wait3A_116 = tpu.memref_squeeze %dma_wait3A_115 : memref<1x8192xf32, #tpu.memory_space<hbm>> -> memref<8192xf32, #tpu.memory_space<hbm>>
      tpu.wait_dma2 semaphore(%arg18 : memref<!tpu.dma_semaphore, #tpu.memory_space<semaphore_mem>>) src(%arg11 : memref<8192xf32, #tpu.memory_space<vmem>>) dst(%dma_wait3A_116 : memref<8192xf32, #tpu.memory_space<hbm>>)
      %parallel_loop3A_117 = arith.constant 0 : i32
      %parallel_loop3A_118 = arith.constant 512 : i32
      %parallel_loop3A_119 = arith.constant 1 : i32
      scf.for %parallel_loop3A_205 = %parallel_loop3A_117 to %parallel_loop3A_118 step %parallel_loop3A_119  : i32 {
        %parallel_loop3A_206 = arith.constant 16 : i32
        %parallel_loop3A_207 = arith.muli %parallel_loop3A_205, %parallel_loop3A_206 : i32
        %parallel_loop3A_208 = tpu.assume_multiple %parallel_loop3A_207, 16 : i32
        %parallel_loop3A_209 = arith.index_cast %parallel_loop3A_208 : i32 to index
        %parallel_loop3A_210 = tpu.vector_load %arg8[%parallel_loop3A_209] {strides = array<i32>} : memref<8192xi32, #tpu.memory_space<vmem>>, vector<16xi32>,
        %parallel_loop3A_211 = arith.constant 65535 : i32
        %parallel_loop3A_212 = vector.broadcast %parallel_loop3A_211 : i32 to vector<16xi32>
        %parallel_loop3A_213 = arith.andi %parallel_loop3A_210, %parallel_loop3A_212 : vector<16xi32>
        %parallel_loop3A_214 = arith.constant 16 : i32
        %parallel_loop3A_215 = vector.broadcast %parallel_loop3A_214 : i32 to vector<16xi32>
        %parallel_loop3A_216 = arith.shrui %parallel_loop3A_210, %parallel_loop3A_215 : vector<16xi32>
        %parallel_loop3A_217 = tpu.vector_load_idx %arg5[%parallel_loop3A_213] : memref<65536xf32, #tpu.memory_space<vmem>>[vector<16xi32>], vector<16xf32>,
        %parallel_loop3A_218 = tpu.vector_load_idx %arg5[%parallel_loop3A_216] : memref<65536xf32, #tpu.memory_space<vmem>>[vector<16xi32>], vector<16xf32>,
        %parallel_loop3A_219 = arith.mulf %parallel_loop3A_217, %parallel_loop3A_218 : vector<16xf32>
        %parallel_loop3A_220 = arith.constant 1.000000e+00 : f32
        %parallel_loop3A_221 = vector.broadcast %parallel_loop3A_220 : f32 to vector<16xf32>
        %parallel_loop3A_222 = arith.subf %parallel_loop3A_221, %parallel_loop3A_219 : vector<16xf32>
        %parallel_loop3A_223 = arith.index_cast %parallel_loop3A_208 : i32 to index
        %parallel_loop3A_224 = tpu.vector_load %arg11[%parallel_loop3A_223] {strides = array<i32>} : memref<8192xf32, #tpu.memory_space<vmem>>, vector<16xf32>,
        tpu.vector_store %arg11[%parallel_loop3A_223], %parallel_loop3A_222 {strides = array<i32>} : memref<8192xf32, #tpu.memory_space<vmem>>, vector<16xf32>,
      } {sc.loop_unroll_factor = 16 : i64, sc.parallel_access}
      %dma_start3A_120 = arith.constant 57344 : i32
      %dma_start3A_121 = tpu.memref_slice %arg6[%dma_start3A_120] : memref<65536xi32, #tpu.memory_space<vmem_shared>> -> memref<8192xi32, #tpu.memory_space<vmem_shared>>
      %dma_start3A_122 = arith.constant 57344 : i32
      %dma_start3A_123 = tpu.memref_slice %arg6[%dma_start3A_122] : memref<65536xi32, #tpu.memory_space<vmem_shared>> -> memref<8192xi32, #tpu.memory_space<vmem_shared>>
      tpu.enqueue_dma source(%dma_start3A_123 : memref<8192xi32, #tpu.memory_space<vmem_shared>>) target(%arg8 : memref<8192xi32, #tpu.memory_space<vmem>>) target_semaphore(%arg15 : memref<!tpu.dma_semaphore, #tpu.memory_space<semaphore_mem>>)
      %dma_start3A_124 = arith.constant 32768 : i32
      %dma_start3A_125 = tpu.memref_slice %arg4[%add3A_11, %dma_start3A_124] : memref<256x65536xf32, #tpu.memory_space<hbm>> -> memref<1x8192xf32, #tpu.memory_space<hbm>>
      %dma_start3A_126 = tpu.memref_squeeze %dma_start3A_125 : memref<1x8192xf32, #tpu.memory_space<hbm>> -> memref<8192xf32, #tpu.memory_space<hbm>>
      %dma_start3A_127 = arith.constant 32768 : i32
      %dma_start3A_128 = tpu.memref_slice %arg4[%add3A_11, %dma_start3A_127] : memref<256x65536xf32, #tpu.memory_space<hbm>> -> memref<1x8192xf32, #tpu.memory_space<hbm>>
      %dma_start3A_129 = tpu.memref_squeeze %dma_start3A_128 : memref<1x8192xf32, #tpu.memory_space<hbm>> -> memref<8192xf32, #tpu.memory_space<hbm>>
      tpu.enqueue_dma source(%arg11 : memref<8192xf32, #tpu.memory_space<vmem>>) target(%dma_start3A_129 : memref<8192xf32, #tpu.memory_space<hbm>>) target_semaphore(%arg18 : memref<!tpu.dma_semaphore, #tpu.memory_space<semaphore_mem>>)
      %dma_wait3A_130 = arith.constant 40960 : i32
      %dma_wait3A_131 = tpu.memref_slice %arg6[%dma_wait3A_130] : memref<65536xi32, #tpu.memory_space<vmem_shared>> -> memref<8192xi32, #tpu.memory_space<vmem_shared>>
      %dma_wait3A_132 = arith.constant 40960 : i32
      %dma_wait3A_133 = tpu.memref_slice %arg6[%dma_wait3A_132] : memref<65536xi32, #tpu.memory_space<vmem_shared>> -> memref<8192xi32, #tpu.memory_space<vmem_shared>>
      tpu.wait_dma2 semaphore(%arg16 : memref<!tpu.dma_semaphore, #tpu.memory_space<semaphore_mem>>) src(%dma_wait3A_133 : memref<8192xi32, #tpu.memory_space<vmem_shared>>) dst(%arg9 : memref<8192xi32, #tpu.memory_space<vmem>>)
      %dma_wait3A_134 = arith.constant 16384 : i32
      %dma_wait3A_135 = tpu.memref_slice %arg4[%add3A_11, %dma_wait3A_134] : memref<256x65536xf32, #tpu.memory_space<hbm>> -> memref<1x8192xf32, #tpu.memory_space<hbm>>
      %dma_wait3A_136 = tpu.memref_squeeze %dma_wait3A_135 : memref<1x8192xf32, #tpu.memory_space<hbm>> -> memref<8192xf32, #tpu.memory_space<hbm>>
      %dma_wait3A_137 = arith.constant 16384 : i32
      %dma_wait3A_138 = tpu.memref_slice %arg4[%add3A_11, %dma_wait3A_137] : memref<256x65536xf32, #tpu.memory_space<hbm>> -> memref<1x8192xf32, #tpu.memory_space<hbm>>
      %dma_wait3A_139 = tpu.memref_squeeze %dma_wait3A_138 : memref<1x8192xf32, #tpu.memory_space<hbm>> -> memref<8192xf32, #tpu.memory_space<hbm>>
      tpu.wait_dma2 semaphore(%arg19 : memref<!tpu.dma_semaphore, #tpu.memory_space<semaphore_mem>>) src(%arg12 : memref<8192xf32, #tpu.memory_space<vmem>>) dst(%dma_wait3A_139 : memref<8192xf32, #tpu.memory_space<hbm>>)
      %parallel_loop3A_140 = arith.constant 0 : i32
      %parallel_loop3A_141 = arith.constant 512 : i32
      %parallel_loop3A_142 = arith.constant 1 : i32
      scf.for %parallel_loop3A_205 = %parallel_loop3A_140 to %parallel_loop3A_141 step %parallel_loop3A_142  : i32 {
        %parallel_loop3A_206 = arith.constant 16 : i32
        %parallel_loop3A_207 = arith.muli %parallel_loop3A_205, %parallel_loop3A_206 : i32
        %parallel_loop3A_208 = tpu.assume_multiple %parallel_loop3A_207, 16 : i32
        %parallel_loop3A_209 = arith.index_cast %parallel_loop3A_208 : i32 to index
        %parallel_loop3A_210 = tpu.vector_load %arg9[%parallel_loop3A_209] {strides = array<i32>} : memref<8192xi32, #tpu.memory_space<vmem>>, vector<16xi32>,
        %parallel_loop3A_211 = arith.constant 65535 : i32
        %parallel_loop3A_212 = vector.broadcast %parallel_loop3A_211 : i32 to vector<16xi32>
        %parallel_loop3A_213 = arith.andi %parallel_loop3A_210, %parallel_loop3A_212 : vector<16xi32>
        %parallel_loop3A_214 = arith.constant 16 : i32
        %parallel_loop3A_215 = vector.broadcast %parallel_loop3A_214 : i32 to vector<16xi32>
        %parallel_loop3A_216 = arith.shrui %parallel_loop3A_210, %parallel_loop3A_215 : vector<16xi32>
        %parallel_loop3A_217 = tpu.vector_load_idx %arg5[%parallel_loop3A_213] : memref<65536xf32, #tpu.memory_space<vmem>>[vector<16xi32>], vector<16xf32>,
        %parallel_loop3A_218 = tpu.vector_load_idx %arg5[%parallel_loop3A_216] : memref<65536xf32, #tpu.memory_space<vmem>>[vector<16xi32>], vector<16xf32>,
        %parallel_loop3A_219 = arith.mulf %parallel_loop3A_217, %parallel_loop3A_218 : vector<16xf32>
        %parallel_loop3A_220 = arith.constant 1.000000e+00 : f32
        %parallel_loop3A_221 = vector.broadcast %parallel_loop3A_220 : f32 to vector<16xf32>
        %parallel_loop3A_222 = arith.subf %parallel_loop3A_221, %parallel_loop3A_219 : vector<16xf32>
        %parallel_loop3A_223 = arith.index_cast %parallel_loop3A_208 : i32 to index
        %parallel_loop3A_224 = tpu.vector_load %arg12[%parallel_loop3A_223] {strides = array<i32>} : memref<8192xf32, #tpu.memory_space<vmem>>, vector<16xf32>,
        tpu.vector_store %arg12[%parallel_loop3A_223], %parallel_loop3A_222 {strides = array<i32>} : memref<8192xf32, #tpu.memory_space<vmem>>, vector<16xf32>,
      } {sc.loop_unroll_factor = 16 : i64, sc.parallel_access}
      %dma_start3A_143 = arith.constant 40960 : i32
      %dma_start3A_144 = tpu.memref_slice %arg4[%add3A_11, %dma_start3A_143] : memref<256x65536xf32, #tpu.memory_space<hbm>> -> memref<1x8192xf32, #tpu.memory_space<hbm>>
      %dma_start3A_145 = tpu.memref_squeeze %dma_start3A_144 : memref<1x8192xf32, #tpu.memory_space<hbm>> -> memref<8192xf32, #tpu.memory_space<hbm>>
      %dma_start3A_146 = arith.constant 40960 : i32
      %dma_start3A_147 = tpu.memref_slice %arg4[%add3A_11, %dma_start3A_146] : memref<256x65536xf32, #tpu.memory_space<hbm>> -> memref<1x8192xf32, #tpu.memory_space<hbm>>
      %dma_start3A_148 = tpu.memref_squeeze %dma_start3A_147 : memref<1x8192xf32, #tpu.memory_space<hbm>> -> memref<8192xf32, #tpu.memory_space<hbm>>
      tpu.enqueue_dma source(%arg12 : memref<8192xf32, #tpu.memory_space<vmem>>) target(%dma_start3A_148 : memref<8192xf32, #tpu.memory_space<hbm>>) target_semaphore(%arg19 : memref<!tpu.dma_semaphore, #tpu.memory_space<semaphore_mem>>)
      %dma_wait3A_149 = arith.constant 49152 : i32
      %dma_wait3A_150 = tpu.memref_slice %arg6[%dma_wait3A_149] : memref<65536xi32, #tpu.memory_space<vmem_shared>> -> memref<8192xi32, #tpu.memory_space<vmem_shared>>
      %dma_wait3A_151 = arith.constant 49152 : i32
      %dma_wait3A_152 = tpu.memref_slice %arg6[%dma_wait3A_151] : memref<65536xi32, #tpu.memory_space<vmem_shared>> -> memref<8192xi32, #tpu.memory_space<vmem_shared>>
      tpu.wait_dma2 semaphore(%arg14 : memref<!tpu.dma_semaphore, #tpu.memory_space<semaphore_mem>>) src(%dma_wait3A_152 : memref<8192xi32, #tpu.memory_space<vmem_shared>>) dst(%arg7 : memref<8192xi32, #tpu.memory_space<vmem>>)
      %dma_wait3A_153 = arith.constant 24576 : i32
      %dma_wait3A_154 = tpu.memref_slice %arg4[%add3A_11, %dma_wait3A_153] : memref<256x65536xf32, #tpu.memory_space<hbm>> -> memref<1x8192xf32, #tpu.memory_space<hbm>>
      %dma_wait3A_155 = tpu.memref_squeeze %dma_wait3A_154 : memref<1x8192xf32, #tpu.memory_space<hbm>> -> memref<8192xf32, #tpu.memory_space<hbm>>
      %dma_wait3A_156 = arith.constant 24576 : i32
      %dma_wait3A_157 = tpu.memref_slice %arg4[%add3A_11, %dma_wait3A_156] : memref<256x65536xf32, #tpu.memory_space<hbm>> -> memref<1x8192xf32, #tpu.memory_space<hbm>>
      %dma_wait3A_158 = tpu.memref_squeeze %dma_wait3A_157 : memref<1x8192xf32, #tpu.memory_space<hbm>> -> memref<8192xf32, #tpu.memory_space<hbm>>
      tpu.wait_dma2 semaphore(%arg17 : memref<!tpu.dma_semaphore, #tpu.memory_space<semaphore_mem>>) src(%arg10 : memref<8192xf32, #tpu.memory_space<vmem>>) dst(%dma_wait3A_158 : memref<8192xf32, #tpu.memory_space<hbm>>)
      %parallel_loop3A_159 = arith.constant 0 : i32
      %parallel_loop3A_160 = arith.constant 512 : i32
      %parallel_loop3A_161 = arith.constant 1 : i32
      scf.for %parallel_loop3A_205 = %parallel_loop3A_159 to %parallel_loop3A_160 step %parallel_loop3A_161  : i32 {
        %parallel_loop3A_206 = arith.constant 16 : i32
        %parallel_loop3A_207 = arith.muli %parallel_loop3A_205, %parallel_loop3A_206 : i32
        %parallel_loop3A_208 = tpu.assume_multiple %parallel_loop3A_207, 16 : i32
        %parallel_loop3A_209 = arith.index_cast %parallel_loop3A_208 : i32 to index
        %parallel_loop3A_210 = tpu.vector_load %arg7[%parallel_loop3A_209] {strides = array<i32>} : memref<8192xi32, #tpu.memory_space<vmem>>, vector<16xi32>,
        %parallel_loop3A_211 = arith.constant 65535 : i32
        %parallel_loop3A_212 = vector.broadcast %parallel_loop3A_211 : i32 to vector<16xi32>
        %parallel_loop3A_213 = arith.andi %parallel_loop3A_210, %parallel_loop3A_212 : vector<16xi32>
        %parallel_loop3A_214 = arith.constant 16 : i32
        %parallel_loop3A_215 = vector.broadcast %parallel_loop3A_214 : i32 to vector<16xi32>
        %parallel_loop3A_216 = arith.shrui %parallel_loop3A_210, %parallel_loop3A_215 : vector<16xi32>
        %parallel_loop3A_217 = tpu.vector_load_idx %arg5[%parallel_loop3A_213] : memref<65536xf32, #tpu.memory_space<vmem>>[vector<16xi32>], vector<16xf32>,
        %parallel_loop3A_218 = tpu.vector_load_idx %arg5[%parallel_loop3A_216] : memref<65536xf32, #tpu.memory_space<vmem>>[vector<16xi32>], vector<16xf32>,
        %parallel_loop3A_219 = arith.mulf %parallel_loop3A_217, %parallel_loop3A_218 : vector<16xf32>
        %parallel_loop3A_220 = arith.constant 1.000000e+00 : f32
        %parallel_loop3A_221 = vector.broadcast %parallel_loop3A_220 : f32 to vector<16xf32>
        %parallel_loop3A_222 = arith.subf %parallel_loop3A_221, %parallel_loop3A_219 : vector<16xf32>
        %parallel_loop3A_223 = arith.index_cast %parallel_loop3A_208 : i32 to index
        %parallel_loop3A_224 = tpu.vector_load %arg10[%parallel_loop3A_223] {strides = array<i32>} : memref<8192xf32, #tpu.memory_space<vmem>>, vector<16xf32>,
        tpu.vector_store %arg10[%parallel_loop3A_223], %parallel_loop3A_222 {strides = array<i32>} : memref<8192xf32, #tpu.memory_space<vmem>>, vector<16xf32>,
      } {sc.loop_unroll_factor = 16 : i64, sc.parallel_access}
      %dma_start3A_162 = arith.constant 49152 : i32
      %dma_start3A_163 = tpu.memref_slice %arg4[%add3A_11, %dma_start3A_162] : memref<256x65536xf32, #tpu.memory_space<hbm>> -> memref<1x8192xf32, #tpu.memory_space<hbm>>
      %dma_start3A_164 = tpu.memref_squeeze %dma_start3A_163 : memref<1x8192xf32, #tpu.memory_space<hbm>> -> memref<8192xf32, #tpu.memory_space<hbm>>
      %dma_start3A_165 = arith.constant 49152 : i32
      %dma_start3A_166 = tpu.memref_slice %arg4[%add3A_11, %dma_start3A_165] : memref<256x65536xf32, #tpu.memory_space<hbm>> -> memref<1x8192xf32, #tpu.memory_space<hbm>>
      %dma_start3A_167 = tpu.memref_squeeze %dma_start3A_166 : memref<1x8192xf32, #tpu.memory_space<hbm>> -> memref<8192xf32, #tpu.memory_space<hbm>>
      tpu.enqueue_dma source(%arg10 : memref<8192xf32, #tpu.memory_space<vmem>>) target(%dma_start3A_167 : memref<8192xf32, #tpu.memory_space<hbm>>) target_semaphore(%arg17 : memref<!tpu.dma_semaphore, #tpu.memory_space<semaphore_mem>>)
      %dma_wait3A_168 = arith.constant 57344 : i32
      %dma_wait3A_169 = tpu.memref_slice %arg6[%dma_wait3A_168] : memref<65536xi32, #tpu.memory_space<vmem_shared>> -> memref<8192xi32, #tpu.memory_space<vmem_shared>>
      %dma_wait3A_170 = arith.constant 57344 : i32
      %dma_wait3A_171 = tpu.memref_slice %arg6[%dma_wait3A_170] : memref<65536xi32, #tpu.memory_space<vmem_shared>> -> memref<8192xi32, #tpu.memory_space<vmem_shared>>
      tpu.wait_dma2 semaphore(%arg15 : memref<!tpu.dma_semaphore, #tpu.memory_space<semaphore_mem>>) src(%dma_wait3A_171 : memref<8192xi32, #tpu.memory_space<vmem_shared>>) dst(%arg8 : memref<8192xi32, #tpu.memory_space<vmem>>)
      %dma_wait3A_172 = arith.constant 32768 : i32
      %dma_wait3A_173 = tpu.memref_slice %arg4[%add3A_11, %dma_wait3A_172] : memref<256x65536xf32, #tpu.memory_space<hbm>> -> memref<1x8192xf32, #tpu.memory_space<hbm>>
      %dma_wait3A_174 = tpu.memref_squeeze %dma_wait3A_173 : memref<1x8192xf32, #tpu.memory_space<hbm>> -> memref<8192xf32, #tpu.memory_space<hbm>>
      %dma_wait3A_175 = arith.constant 32768 : i32
      %dma_wait3A_176 = tpu.memref_slice %arg4[%add3A_11, %dma_wait3A_175] : memref<256x65536xf32, #tpu.memory_space<hbm>> -> memref<1x8192xf32, #tpu.memory_space<hbm>>
      %dma_wait3A_177 = tpu.memref_squeeze %dma_wait3A_176 : memref<1x8192xf32, #tpu.memory_space<hbm>> -> memref<8192xf32, #tpu.memory_space<hbm>>
      tpu.wait_dma2 semaphore(%arg18 : memref<!tpu.dma_semaphore, #tpu.memory_space<semaphore_mem>>) src(%arg11 : memref<8192xf32, #tpu.memory_space<vmem>>) dst(%dma_wait3A_177 : memref<8192xf32, #tpu.memory_space<hbm>>)
      %parallel_loop3A_178 = arith.constant 0 : i32
      %parallel_loop3A_179 = arith.constant 512 : i32
      %parallel_loop3A_180 = arith.constant 1 : i32
      scf.for %parallel_loop3A_205 = %parallel_loop3A_178 to %parallel_loop3A_179 step %parallel_loop3A_180  : i32 {
        %parallel_loop3A_206 = arith.constant 16 : i32
        %parallel_loop3A_207 = arith.muli %parallel_loop3A_205, %parallel_loop3A_206 : i32
        %parallel_loop3A_208 = tpu.assume_multiple %parallel_loop3A_207, 16 : i32
        %parallel_loop3A_209 = arith.index_cast %parallel_loop3A_208 : i32 to index
        %parallel_loop3A_210 = tpu.vector_load %arg8[%parallel_loop3A_209] {strides = array<i32>} : memref<8192xi32, #tpu.memory_space<vmem>>, vector<16xi32>,
        %parallel_loop3A_211 = arith.constant 65535 : i32
        %parallel_loop3A_212 = vector.broadcast %parallel_loop3A_211 : i32 to vector<16xi32>
        %parallel_loop3A_213 = arith.andi %parallel_loop3A_210, %parallel_loop3A_212 : vector<16xi32>
        %parallel_loop3A_214 = arith.constant 16 : i32
        %parallel_loop3A_215 = vector.broadcast %parallel_loop3A_214 : i32 to vector<16xi32>
        %parallel_loop3A_216 = arith.shrui %parallel_loop3A_210, %parallel_loop3A_215 : vector<16xi32>
        %parallel_loop3A_217 = tpu.vector_load_idx %arg5[%parallel_loop3A_213] : memref<65536xf32, #tpu.memory_space<vmem>>[vector<16xi32>], vector<16xf32>,
        %parallel_loop3A_218 = tpu.vector_load_idx %arg5[%parallel_loop3A_216] : memref<65536xf32, #tpu.memory_space<vmem>>[vector<16xi32>], vector<16xf32>,
        %parallel_loop3A_219 = arith.mulf %parallel_loop3A_217, %parallel_loop3A_218 : vector<16xf32>
        %parallel_loop3A_220 = arith.constant 1.000000e+00 : f32
        %parallel_loop3A_221 = vector.broadcast %parallel_loop3A_220 : f32 to vector<16xf32>
        %parallel_loop3A_222 = arith.subf %parallel_loop3A_221, %parallel_loop3A_219 : vector<16xf32>
        %parallel_loop3A_223 = arith.index_cast %parallel_loop3A_208 : i32 to index
        %parallel_loop3A_224 = tpu.vector_load %arg11[%parallel_loop3A_223] {strides = array<i32>} : memref<8192xf32, #tpu.memory_space<vmem>>, vector<16xf32>,
        tpu.vector_store %arg11[%parallel_loop3A_223], %parallel_loop3A_222 {strides = array<i32>} : memref<8192xf32, #tpu.memory_space<vmem>>, vector<16xf32>,
      } {sc.loop_unroll_factor = 16 : i64, sc.parallel_access}
      %dma_start3A_181 = arith.constant 57344 : i32
      %dma_start3A_182 = tpu.memref_slice %arg4[%add3A_11, %dma_start3A_181] : memref<256x65536xf32, #tpu.memory_space<hbm>> -> memref<1x8192xf32, #tpu.memory_space<hbm>>
      %dma_start3A_183 = tpu.memref_squeeze %dma_start3A_182 : memref<1x8192xf32, #tpu.memory_space<hbm>> -> memref<8192xf32, #tpu.memory_space<hbm>>
      %dma_start3A_184 = arith.constant 57344 : i32
      %dma_start3A_185 = tpu.memref_slice %arg4[%add3A_11, %dma_start3A_184] : memref<256x65536xf32, #tpu.memory_space<hbm>> -> memref<1x8192xf32, #tpu.memory_space<hbm>>
      %dma_start3A_186 = tpu.memref_squeeze %dma_start3A_185 : memref<1x8192xf32, #tpu.memory_space<hbm>> -> memref<8192xf32, #tpu.memory_space<hbm>>
      tpu.enqueue_dma source(%arg11 : memref<8192xf32, #tpu.memory_space<vmem>>) target(%dma_start3A_186 : memref<8192xf32, #tpu.memory_space<hbm>>) target_semaphore(%arg18 : memref<!tpu.dma_semaphore, #tpu.memory_space<semaphore_mem>>)
      %dma_wait3A_187 = arith.constant 40960 : i32
      %dma_wait3A_188 = tpu.memref_slice %arg4[%add3A_11, %dma_wait3A_187] : memref<256x65536xf32, #tpu.memory_space<hbm>> -> memref<1x8192xf32, #tpu.memory_space<hbm>>
      %dma_wait3A_189 = tpu.memref_squeeze %dma_wait3A_188 : memref<1x8192xf32, #tpu.memory_space<hbm>> -> memref<8192xf32, #tpu.memory_space<hbm>>
      %dma_wait3A_190 = arith.constant 40960 : i32
      %dma_wait3A_191 = tpu.memref_slice %arg4[%add3A_11, %dma_wait3A_190] : memref<256x65536xf32, #tpu.memory_space<hbm>> -> memref<1x8192xf32, #tpu.memory_space<hbm>>
      %dma_wait3A_192 = tpu.memref_squeeze %dma_wait3A_191 : memref<1x8192xf32, #tpu.memory_space<hbm>> -> memref<8192xf32, #tpu.memory_space<hbm>>
      tpu.wait_dma2 semaphore(%arg19 : memref<!tpu.dma_semaphore, #tpu.memory_space<semaphore_mem>>) src(%arg12 : memref<8192xf32, #tpu.memory_space<vmem>>) dst(%dma_wait3A_192 : memref<8192xf32, #tpu.memory_space<hbm>>)
      %dma_wait3A_193 = arith.constant 49152 : i32
      %dma_wait3A_194 = tpu.memref_slice %arg4[%add3A_11, %dma_wait3A_193] : memref<256x65536xf32, #tpu.memory_space<hbm>> -> memref<1x8192xf32, #tpu.memory_space<hbm>>
      %dma_wait3A_195 = tpu.memref_squeeze %dma_wait3A_194 : memref<1x8192xf32, #tpu.memory_space<hbm>> -> memref<8192xf32, #tpu.memory_space<hbm>>
      %dma_wait3A_196 = arith.constant 49152 : i32
      %dma_wait3A_197 = tpu.memref_slice %arg4[%add3A_11, %dma_wait3A_196] : memref<256x65536xf32, #tpu.memory_space<hbm>> -> memref<1x8192xf32, #tpu.memory_space<hbm>>
      %dma_wait3A_198 = tpu.memref_squeeze %dma_wait3A_197 : memref<1x8192xf32, #tpu.memory_space<hbm>> -> memref<8192xf32, #tpu.memory_space<hbm>>
      tpu.wait_dma2 semaphore(%arg17 : memref<!tpu.dma_semaphore, #tpu.memory_space<semaphore_mem>>) src(%arg10 : memref<8192xf32, #tpu.memory_space<vmem>>) dst(%dma_wait3A_198 : memref<8192xf32, #tpu.memory_space<hbm>>)
      %dma_wait3A_199 = arith.constant 57344 : i32
      %dma_wait3A_200 = tpu.memref_slice %arg4[%add3A_11, %dma_wait3A_199] : memref<256x65536xf32, #tpu.memory_space<hbm>> -> memref<1x8192xf32, #tpu.memory_space<hbm>>
      %dma_wait3A_201 = tpu.memref_squeeze %dma_wait3A_200 : memref<1x8192xf32, #tpu.memory_space<hbm>> -> memref<8192xf32, #tpu.memory_space<hbm>>
      %dma_wait3A_202 = arith.constant 57344 : i32
      %dma_wait3A_203 = tpu.memref_slice %arg4[%add3A_11, %dma_wait3A_202] : memref<256x65536xf32, #tpu.memory_space<hbm>> -> memref<1x8192xf32, #tpu.memory_space<hbm>>
      %dma_wait3A_204 = tpu.memref_squeeze %dma_wait3A_203 : memref<1x8192xf32, #tpu.memory_space<hbm>> -> memref<8192xf32, #tpu.memory_space<hbm>>
      tpu.wait_dma2 semaphore(%arg18 : memref<!tpu.dma_semaphore, #tpu.memory_space<semaphore_mem>>) src(%arg11 : memref<8192xf32, #tpu.memory_space<vmem>>) dst(%dma_wait3A_204 : memref<8192xf32, #tpu.memory_space<hbm>>)
    }
    %scan3A_9 = arith.constant 8 : i32
    return
  }
}

</mosaic_0001>

<sc_bundles>
// kernel: kernel.3.cloned.1.call-start
scs
__scs_entry_jumppad:
0x0: {  	(pc) =	sbr.rel $0x88, $3  }
0x1: {  	(tag) =	ssettag $0x0;
	lr =	simm.s32 $0x1  }
0x2: {  	[smem:$0x3F9F] =	sst lr;
	_ =	strace $0xD0000000  }
0x3: {  	_ = 	snop  }
0x4: {  	_ = 	snop  }
0x5: {  	_ = 	snop  }
0x6: {  	_ = 	snop  }
0x7: {  	_ = 	snop  }
__scs_overlays_trampoline_lowered:
0x8: {  	[smem:$0x3FAE] =	sst s0  }
0x9: {  	[smem:$0x3FAF] =	sst s1  }
0xa: {  	[smem:$0x3FB0] =	sst s2  }
0xb: {  	[smem:$0x3FB1] =	sst s3  }
0xc: {  	[smem:$0x3FB2] =	sst s4  }
0xd: {  	[smem:$0x3FB3] =	sst s5  }
0xe: {  	[smem:$0x3FB4] =	sst s6  }
0xf: {  	[smem:$0x3FB5] =	sst s7  }
0x10: {  	[smem:$0x3FB6] =	sst s8  }
0x11: {  	[smem:$0x3FB7] =	sst s9;
	s0 =	simm.s32 @!p0 $0x0  }
0x12: {  	s1 =	sld [smem:$0x3F9D];
	s0 =	simm.s32 @p0 $0x1  }
0x13: {  	[smem:$0x3FB8] =	sst s0;
	s0 =	simm.s32 @!p1 $0x0  }
0x14: {  	s2 =	sld [smem:$0x3F9C];
	s0 =	simm.s32 @p1 $0x1  }
0x15: {  	[smem:$0x3FB9] =	sst s0;
	s0 =	simm.s32 @!p2 $0x0  }
0x16: {  	s3 =	sld [smem:$0x3FDB];
	s0 =	simm.s32 @p2 $0x1  }
0x17: {  	s4 =	simm.s32 $0x1BF5;
	[smem:$0x3FBB] =	sst s0  }
0x18: {  	s0 =	sld [smem:$0x3F9E];
	_ =	swait.ge [sflag:s4], $0x0  }
0x19: {  	s7 =	sld [smem:$0x3F9F]  }
0x1a: {  	s8 =	sadd.s32 $0xFFFFE003, lr  }
0x1b: {  	s9 =	sadd.s32 $0xFFFFFEF7, lr;
	s5 =	simm.s32 $0xFFFFFFFF;
	p2 =	slt.u32 s8, $0xFFFFF086  }
0x1c: {  	p1 =	slt.u32 s9, $0xF7A;
	s5 =	simm.s32 @!p2 $0x0  }
0x1d: {  	s5 =	simm.s32 @p1 $0x1;
	p0 =	seq.s32 s7, s2  }
0x1e: {  	s7 =	smul.u32 @!p0 $0xF7A, s2;
	p2 =	seq.s32 @!p0 s5, $0x0  }
0x1f: {  	s9 =	smul.u32 $0xF7A, s1;
	s8 =	simm.s32 @!p0 $0x1BF5;
	p2 =	por !p2, p0  }
0x20: {  	[sflag:s8] =	ssyncset.s32 @!p0 $0xFFFFF086;
	s6 =	sadd.s32 @!p0 s3, s7;
	s7 =	simm.s32 @!p0 $0x108  }
0x21: {  	s3 =	sadd.s32 s3, s9;
	s6 =	sadd.s32 @!p0 $0x88, s6;
	s7 =	simm.s32 @p2 $0x1082  }
0x22: {  	[simem:s7], [sflag:s8] =	dma.local @!p0 [hbm:s6], $0xF7A  }
0x23: {  	s9 =	sor.u32 $0xD0000000, s2;
	s6 =	simm.s32 $0x108;
	_ =	swait.ge @!p0 [sflag:s8], $0x0  }
0x24: {  	s3 =	sadd.s32 $0x88, s3;
	s6 =	simm.s32 @!p1 $0x1082;
	[sflag:s4] =	ssyncset.s32 $0xFFFFF086  }
0x25: {  	[simem:s6], [sflag:s4] =	dma.local [hbm:s3], $0xF7A  }
0x26: {  	[smem:$0x3F9F] =	sst s1;
	(tag) =	ssettag s2;
	_ =	strace s9  }
0x27: {  	s1 =	sld [smem:$0x3FAF]  }
0x28: {  	s2 =	sld [smem:$0x3FB0]  }
0x29: {  	s4 =	sld [smem:$0x3FB2]  }
0x2a: {  	p0 =	seq.s32 s5, $0x0;
	s5 =	sld [smem:$0x3FB3]  }
0x2b: {  	s6 =	sld [smem:$0x3FB4]  }
0x2c: {  	s7 =	sld [smem:$0x3FB5]  }
0x2d: {  	s3 =	simm.s32 $0x108;
	s8 =	sld [smem:$0x3FB6]  }
0x2e: {  	s3 =	simm.s32 @!p0 $0x1082;
	s9 =	sld [smem:$0x3FB7]  }
0x2f: {  	lr =	sadd.s32 s0, s3;
	s0 =	sld [smem:$0x3FAE]  }
0x30: {  	s3 =	sld [smem:$0x3FB1]  }
0x31: {  	[smem:$0x3FBA] =	sst s10  }
0x32: {  	s10 =	sld [smem:$0x3FB8];
	_ =	sdelay $0x3  }
0x33: {  	p0 =	seq.s32 s10, $0x1;
	s10 =	sld [smem:$0x3FBA];
	_ =	sdelay $0x3  }
0x34: {  	[smem:$0x3FBA] =	sst s10  }
0x35: {  	s10 =	sld [smem:$0x3FB9];
	_ =	sdelay $0x3  }
0x36: {  	p1 =	seq.s32 s10, $0x1;
	s10 =	sld [smem:$0x3FBA];
	_ =	sdelay $0x3  }
0x37: {  	[smem:$0x3FBA] =	sst s10  }
0x38: {  	s10 =	sld [smem:$0x3FBB]  }
0x39: {  	_ = 	snop;
	(pc) =	sbr.ind lr, $3  }
0x3a: {  	_ = 	snop  }
0x3b: {  	_ = 	snop  }
0x3c: {  	p2 =	seq.s32 s10, $0x1;
	s10 =	sld [smem:$0x3FBA]  }
0x3d: {  	_ =	shalt  }
0x3e: {  	_ =	shalt  }
0x3f: {  	_ =	shalt  }
0x40: {  	_ =	shalt  }
0x41: {  	_ =	shalt  }
0x42: {  	_ =	shalt  }
0x43: {  	_ =	shalt  }
0x44: {  	_ =	shalt  }
0x45: {  	_ =	shalt  }
0x46: {  	_ =	shalt  }
0x47: {  	_ =	shalt  }
0x48: {  	_ =	shalt  }
0x49: {  	_ =	shalt  }
0x4a: {  	_ =	shalt  }
0x4b: {  	_ =	shalt  }
0x4c: {  	_ =	shalt  }
0x4d: {  	_ =	shalt  }
0x4e: {  	_ =	shalt  }
0x4f: {  	_ =	shalt  }
0x50: {  	_ =	shalt  }
0x51: {  	_ =	shalt  }
0x52: {  	_ =	shalt  }
0x53: {  	_ =	shalt  }
0x54: {  	_ =	shalt  }
0x55: {  	_ =	shalt  }
0x56: {  	_ =	shalt  }
0x57: {  	_ =	shalt  }
0x58: {  	_ =	shalt  }
0x59: {  	_ =	shalt  }
0x5a: {  	_ =	shalt  }
0x5b: {  	_ =	shalt  }
0x5c: {  	_ =	shalt  }
0x5d: {  	_ =	shalt  }
0x5e: {  	_ =	shalt  }
0x5f: {  	_ =	shalt  }
0x60: {  	_ =	shalt  }
0x61: {  	_ =	shalt  }
0x62: {  	_ =	shalt  }
0x63: {  	_ =	shalt  }
0x64: {  	_ =	shalt  }
0x65: {  	_ =	shalt  }
0x66: {  	_ =	shalt  }
0x67: {  	_ =	shalt  }
0x68: {  	_ =	shalt  }
0x69: {  	_ =	shalt  }
0x6a: {  	_ =	shalt  }
0x6b: {  	_ =	shalt  }
0x6c: {  	_ =	shalt  }
0x6d: {  	_ =	shalt  }
0x6e: {  	_ =	shalt  }
0x6f: {  	_ =	shalt  }
0x70: {  	_ =	shalt  }
0x71: {  	_ =	shalt  }
0x72: {  	_ =	shalt  }
0x73: {  	_ =	shalt  }
0x74: {  	_ =	shalt  }
0x75: {  	_ =	shalt  }
0x76: {  	_ =	shalt  }
0x77: {  	_ =	shalt  }
0x78: {  	_ =	shalt  }
0x79: {  	_ =	shalt  }
0x7a: {  	_ =	shalt  }
0x7b: {  	_ =	shalt  }
0x7c: {  	_ =	shalt  }
0x7d: {  	_ =	shalt  }
0x7e: {  	_ =	shalt  }
0x7f: {  	_ =	shalt  }
0x80: {  	_ =	shalt  }
0x81: {  	_ =	shalt  }
0x82: {  	_ =	shalt  }
0x83: {  	_ =	shalt  }
0x84: {  	_ =	shalt  }
0x85: {  	_ =	shalt  }
0x86: {  	_ =	shalt  }
0x87: {  	_ =	shalt  }
.Lfunc_end0:
.L_simem_size_0:
called_computation_lowered:
.L_overlay_start_0:
0x88: {  	s2 =	sld [smem:$0x3FD9]  }
0x89: {  	s3 =	sld [smem:$0x3FFE];
	_ =	sdelay $0x1  }
0x8a: {  	s1 =	srdreg.scid  }
0x8b: {  	s0 =	sand.u32 $0x1, s1  }
0x8c: {  	s17 =	sshll.u32 s0, $0xA;
	s2 =	sadd.s32 s3, s2  }
0x8d: {  	s2 =	sadd.s32 s2, s17  }
0x8e: {  	[smem:$0x3FC6] =	sst s2  }
0x8f: {  	_ = 	snop  }
0x90: {  	s2 =	sld [smem:$0x3FC9]  }
0x91: {  	s18 =	sld [smem:$0x3FD0];
	(tm) =	ssettm $0x1  }
0x92: {  	s4 =	sld [smem:$0x3FFB];
	_ =	sdelay $0x3  }
0x93: {  	_ =	strace s4  }
0x94: {  	s4 =	sld [smem:$0x3FFC];
	_ =	sdelay $0x3  }
0x95: {  	_ =	strace s4  }
0x96: {  	s4 =	sld [smem:$0x3FFD];
	_ =	sdelay $0x3  }
0x97: {  	_ =	strace s4  }
0x98: {  	_ =	strace $0x8FFFFFFF  }
0x99: {  	s19 =	sld [smem:$0x3FDB];
	_ =	sdelay $0x1  }
0x9a: {  	s5 =	simm.s32 $_scs_section_size  }
0x9b: {  	s6 =	simm.s32 $_size__tile_overlayer_lowered;
	s7 =	simm.s32 $_tile_overlayer_lowered  }
0x9c: {  	s22 =	simm.s32 $0x1BFF;
	s21 =	sshll.u32 s7, $0x1;
	s4 =	sadd.s32 s5, s19  }
0x9d: {  	s8 =	simm.s32 $0x0;
	s20 =	sshll.u32 s6, $0x1;
	s6 =	sadd.s32 s21, s4  }
0x9e: {  	[timem:s8], [sflag:s22] =	dma.local [hbm:s6], s20  }
0x9f: {  	_ =	swait.ge [sflag:s22], s20  }
0xa0: {  	s5 =	ssub.s32 $0x0, s20;
	[sflag:s22] =	ssyncset.done $0x0  }
0xa1: {  	[sflag:s22] =	ssyncadd.s32 s5;
	_ =	sdelay $0x1  }
0xa2: {  	s23 =	simm.s32 $0x1B8B  }
0xa3: {  	_ =	swait.ge [sflag:s23], $0x1  }
0xa4: {  	[sflag:s23] =	ssyncset.done $0x0  }
0xa5: {  	s25 =	simm.s32 $0x1B8E;
	s24 =	sld [smem:$0x3FFE];
	[sflag:s23] =	ssyncadd.s32 $0xFFFFFFFF  }
0xa6: {  	s26 =	simm.s32 $execute0_lowered;
	[smem:$0x3FD2] =	sst s25  }
0xa7: {  	s6 =	sshll.u32 s26, $0x1;
	_ =	strace $0x80000046;
	[dreg:$0x1] =	wrdreg $0xFFFFFFFF  }
0xa8: {  	s28 =	simm.s32 $_size_execute0_lowered;
	s4 =	sadd.s32 s4, s6;
	[dreg:$0x0] =	wrdreg $0x0  }
0xa9: {  	s6 =	sshll.u32 s28, $0x1;
	[dreg:$0x2] =	wrdreg s4  }
0xaa: {  	[dreg:$0x3] =	wrdreg s6  }
0xab: {  	[dreg:$0x4] =	wrdreg $0xC0  }
0xac: {  	_ =	task [dreg:s8], $0x5FFFF  }
0xad: {  	[dreg:$0x1] =	wrdreg $0xFFFFFFFF  }
0xae: {  	[dreg:$0x0] =	wrdreg $0x60  }
0xaf: {  	[dreg:$0x2] =	wrdreg s2  }
0xb0: {  	[dreg:$0x3] =	wrdreg s24  }
0xb1: {  	[dreg:$0x4] =	wrdreg s18  }
0xb2: {  	[dreg:$0x5] =	wrdreg $0x100000  }
0xb3: {  	[dreg:$0x6] =	wrdreg $0x9  }
0xb4: {  	_ =	task.clear_ibuf [dreg:s8], $0x7FFFF;
	_ =	strace $0x90000046  }
0xb5: {  	s29 =	simm.s32 $0x9;
	_ =	strace $0x80000048  }
0xb6: {  	_ =	swait.ge [sflag:s29], $0x1  }
0xb7: {  	[sflag:s29] =	ssyncadd.s32 $0xFFFFFFFF  }
0xb8: {  	_ =	strace $0x90000048  }
0xb9: {  	_ =	sfence  }
0xba: {  	s30 =	sld [smem:$0x0];
	_ =	sdelay $0x2  }
0xbb: {  	s31 =	sshll.u32 s1, $0xD;
	s1 =	sshrl.u32 s1, $0x2  }
0xbc: {  	s3 =	sand.u32 $0x4000, s31;
	s1 =	sadd.s32 s1, s30  }
0xbd: {  	s0 =	sor.u32 s3, s0;
	s1 =	sshll.u32 s1, $0x11  }
0xbe: {  	s0 =	sor.u32 s1, s0  }
0xbf: {  	s0 =	sadd.s32 $0x8F2B, s0  }
0xc0: {  	[sflag:s0] =	ssyncadd.remote.s32 $0x1  }
0xc1: {  	_ =	sfence.sel $0xFFFF  }
0xc2: {  	[dreg:$0x0] =	wrdreg $0xFFFFFFFF;
	(pc) =	sbr.abs _section_cstart, $3  }
0xc3: {  	[dreg:$0x1] =	wrdreg $0xFFFFFFFF  }
0xc4: {  	_ =	task.clear_ibuf [dreg:s8], $0x2FFFF;
	_ =	strace $0x9FFFFFFF  }
0xc5: {  	(tm) =	ssettm $0x7FFFFFFF  }
tec
execute0_lowered:
.L_overlay_start_1:
0x0: {  	(tag) =	ssettag $0x1  }
0x1: {  	s0 =	rddreg [dreg:$0x1]  }
0x2: {  	s5 =	rddreg [dreg:$0x2]  }
0x3: {  	s6 =	rddreg [dreg:$0x3];
	s4 =	simm.s32 $0x0;
	s1 =	srdreg.scid  }
0x4: {  	s11 =	stileid.u32;
	s28 =	simm.s32 $0x1;
	s29 =	simm.s32 $0x2  }
0x5: {  	s30 =	simm.s32 $0x17000;
	s31 =	simm.s32 $0x3;
	[smem:$0x7FF] =	sst s4  }
0x6: {  	s1 =	sand.u32 $0x1, s1;
	s0 =	sadd.s32 $0x400, s0;
	s19 =	sshll.u32 s11, $0x4  }
0x7: {  	s20 =	sadd.s32 $0x2000, s6;
	s21 =	sadd.s32 $0x4000, s6;
	s22 =	sadd.s32 $0x6000, s6  }
0x8: {  	s23 =	sadd.s32 $0x8000, s6;
	_ =	strace $0x80000047;
	[dreg:$0x5] =	wrdreg s0  }
0x9: {  	s24 =	sadd.s32 $0x2000, s5;
	s25 =	sadd.s32 $0xA000, s6;
	[dreg:$0x7] =	wrdreg s20  }
0xa: {  	s13 =	sadd.s32 $0x4000, s5;
	s14 =	sadd.s32 $0xC000, s6;
	[dreg:$0x8] =	wrdreg s21  }
0xb: {  	s15 =	sadd.s32 $0x6000, s5;
	s16 =	sadd.s32 $0xE000, s6;
	[dreg:$0x9] =	wrdreg s22  }
0xc: {  	s17 =	sadd.s32 $0x8000, s5;
	s18 =	sadd.s32 $0xA000, s5;
	[dreg:$0xa] =	wrdreg s23  }
0xd: {  	s12 =	smov.u32 s5;
	p0 =	sne.s32 s11, $0x0;
	[dreg:$0xb] =	wrdreg s24  }
0xe: {  	s2 =	ssub.s32 $0x2, s1;
	s1 =	sshll.u32 s1, $0x3;
	[dreg:$0xc] =	wrdreg s25  }
0xf: {  	s0 =	sshrl.u32 @!p0 s6, $0x3;
	s22 =	simm.s32 $0x80;
	s23 =	simm.s32 $0x400  }
0x10: {  	s24 =	simm.s32 $0x11000;
	s25 =	simm.s32 $0x13000;
	s20 =	simm.s32 $0x1B000  }
0x11: {  	s21 =	simm.s32 $0x5;
	s6 =	simm.s32 $0x0;
	s3 =	sshrl.u32 s2, $0x1  }
0x12: {  	s1 =	sor.u32 s1, s19;
	s19 =	sadd.s32 $0xC000, s5;
	[dreg:$0xe] =	wrdreg s0  }
0x13: {  	s0 =	simm.s32 $0x19000;
	s5 =	simm.s32 $0x4;
	s2 =	ssub.s32 s2, s3  }
0x14: {  	[dreg:$0x6] =	wrdreg s1;
	s1 =	simm.s32 $0x6;
	s26 =	smax.u32 s2, $0x1  }
0x15: {  	s3 =	simm.s32 $0x7;
	[dreg:$0xd] =	wrdreg s26;
	s26 =	simm.s32 $0x15000  }
.LBB2_1:
0x16: {  	[dreg:$0xf] =	wrdreg s6  }
0x17: {  	s6 =	rddreg [dreg:$0x5]  }
0x18: {  	s2 =	simm.s32 @!p0 $0x1C08;
	s7 =	rddreg [dreg:$0xe]  }
0x19: {  	[spmem:s7], [sflag:s2] =	dma.local @!p0 [hbm:s6], $0x2000  }
0x1a: {  	s2 =	simm.s32 @!p0 $0x8  }
0x1b: {  	_ =	swait.ge @!p0 [sflag:s2], $0x2000  }
0x1c: {  	[sflag:s2] =	ssyncset.done @!p0 $0x0  }
0x1d: {  	[sflag:s2] =	ssyncadd.s32 @!p0 $0xFFFFE000  }
0x1e: {  	s2 =	simm.s32 $0x0;
	[bflag:$0x0] =	sbarrier.arrive $0xFFFF  }
.LBB2_2:
0x1f: {  	s6 =	rddreg [dreg:$0x6]  }
0x20: {  	s6 =	sadd.s32 s6, s2  }
0x21: {  	s6 =	sshll.u32 s6, $0x10  }
0x22: {  	s7 =	sshll.u32 s2, $0x7;
	s8 =	sand.u32 $0xF80000, s6  }
0x23: {  	s8 =	sor.u32 s7, s8  }
0x24: {  	s9 =	rddreg [dreg:$0x0];
	s8 =	sshrl.u32 s8, $0x3  }
0x25: {  	s9 =	sadd.s32 s9, s8  }
0x26: {  	[tilespmem:s4], [sflag:$0x1] =	stream.strided.gather [hbm4b:s9+s22], $0x10000, s23, s22, $0x38;
	[tilespmem:$0x1D000] =	vst v63  }
0x27: {  	s10 =	rddreg [dreg:$0x3]  }
0x28: {  	[tilespmem:s24], [sflag:$0x2] =	stream.linear.gather [spmem:s10], $0x2000, $0x38;
	[tilespmem:$0x1D000] =	vst v63  }
0x29: {  	s11 =	rddreg [dreg:$0x7]  }
0x2a: {  	[tilespmem:s25], [sflag:$0x3] =	stream.linear.gather [spmem:s11], $0x2000, $0x38;
	[tilespmem:$0x1D000] =	vst v63  }
0x2b: {  	s10 =	rddreg [dreg:$0x8]  }
0x2c: {  	[tilespmem:s26], [sflag:$0x4] =	stream.linear.gather [spmem:s10], $0x2000, $0x38;
	[tilespmem:$0x1D000] =	vst v63  }
0x2d: {  	_ =	swait.ge [sflag:s28], $0x10000  }
0x2e: {  	[sflag:s28] =	ssyncset.done $0x0  }
0x2f: {  	[sflag:s28] =	ssyncadd.s32 $0xFFFF0000  }
0x30: {  	_ =	swait.ge [sflag:s29], $0x2000  }
0x31: {  	[sflag:s29] =	ssyncset.done $0x0  }
0x32: {  	s11 =	simm.s32 $0x11080;
	[sflag:s29] =	ssyncadd.s32 $0xFFFFE000  }
0x33: {  	v0 =	vld [tilespmem:s11+$0x70]  }
0x34: {  	v1 =	vld [tilespmem:s11+$0xFFFFFF90]  }
0x35: {  	v2 =	vld [tilespmem:s11+$0xFFFFFFA0]  }
0x36: {  	v3 =	vld [tilespmem:s11+$0xFFFFFFB0]  }
0x37: {  	v4 =	vld [tilespmem:s11+$0xFFFFFFC0]  }
0x38: {  	v5 =	vld [tilespmem:s11+$0xFFFFFFD0]  }
0x39: {  	v7 =	vld [tilespmem:s11+$0xFFFFFFE0]  }
0x3a: {  	v8 =	vld [tilespmem:s11+$0xFFFFFFF0]  }
0x3b: {  	v9 =	vld [tilespmem:s11+$0x0]  }
0x3c: {  	v10 =	vld [tilespmem:s11+$0x10]  }
0x3d: {  	v11 =	vld [tilespmem:s11+$0x20]  }
0x3e: {  	v13 =	vld [tilespmem:s11+$0x30];
	v6 =	vand.u32 $0xFFFF, v0  }
0x3f: {  	v14 =	vld [tilespmem:s11+$0x40];
	v0 =	vshrl.u32 v0, $0x10  }
0x40: {  	v16 =	vld [tilespmem:s11+$0x50];
	v12 =	vand.u32 $0xFFFF, v1  }
0x41: {  	v17 =	vld [tilespmem:s11+$0x60];
	v1 =	vshrl.u32 v1, $0x10  }
0x42: {  	v19 =	vld [tilespmem:s11+$0xFFFFFF80];
	v15 =	vand.u32 $0xFFFF, v2  }
0x43: {  	v2 =	vshrl.u32 v2, $0x10;
	v6 =	vld.idx.msk [tilespmem:v6+s4+$0x0], $0xffff  }
0x44: {  	v18 =	vand.u32 $0xFFFF, v3;
	v0 =	vld.idx.msk [tilespmem:v0+s4+$0x0], $0xffff  }
0x45: {  	v3 =	vshrl.u32 v3, $0x10;
	v12 =	vld.idx.msk [tilespmem:v12+s4+$0x0], $0xffff  }
0x46: {  	v20 =	vand.u32 $0xFFFF, v4;
	v1 =	vld.idx.msk [tilespmem:v1+s4+$0x0], $0xffff  }
0x47: {  	v4 =	vshrl.u32 v4, $0x10;
	v15 =	vld.idx.msk [tilespmem:v15+s4+$0x0], $0xffff  }
0x48: {  	v21 =	vand.u32 $0xFFFF, v5;
	v2 =	vld.idx.msk [tilespmem:v2+s4+$0x0], $0xffff  }
0x49: {  	v22 =	vand.u32 $0xFFFF, v19;
	v18 =	vld.idx.msk [tilespmem:v18+s4+$0x0], $0xffff  }
0x4a: {  	v19 =	vshrl.u32 v19, $0x10;
	v3 =	vld.idx.msk [tilespmem:v3+s4+$0x0], $0xffff  }
0x4b: {  	v5 =	vshrl.u32 v5, $0x10;
	v20 =	vld.idx.msk [tilespmem:v20+s4+$0x0], $0xffff  }
0x4c: {  	v23 =	vand.u32 $0xFFFF, v7;
	v4 =	vld.idx.msk [tilespmem:v4+s4+$0x0], $0xffff  }
0x4d: {  	v7 =	vshrl.u32 v7, $0x10;
	v21 =	vld.idx.msk [tilespmem:v21+s4+$0x0], $0xffff  }
0x4e: {  	v24 =	vand.u32 $0xFFFF, v8;
	v22 =	vld.idx.msk [tilespmem:v22+s4+$0x0], $0xffff  }
0x4f: {  	v25 =	vand.u32 $0xFFFF, v9;
	v19 =	vld.idx.msk [tilespmem:v19+s4+$0x0], $0xffff  }
0x50: {  	v9 =	vshrl.u32 v9, $0x10;
	v5 =	vld.idx.msk [tilespmem:v5+s4+$0x0], $0xffff  }
0x51: {  	v8 =	vshrl.u32 v8, $0x10;
	v23 =	vld.idx.msk [tilespmem:v23+s4+$0x0], $0xffff  }
0x52: {  	v26 =	vand.u32 $0xFFFF, v10;
	v7 =	vld.idx.msk [tilespmem:v7+s4+$0x0], $0xffff  }
0x53: {  	v27 =	vand.u32 $0xFFFF, v11;
	v24 =	vld.idx.msk [tilespmem:v24+s4+$0x0], $0xffff  }
0x54: {  	v10 =	vshrl.u32 v10, $0x10;
	v54 =	vld.idx.msk [tilespmem:v25+s4+$0x0], $0xffff;
	v0 =	vmul.f32 v0, v6  }
0x55: {  	v55 =	vand.u32 $0xFFFF, v13;
	v13 =	vshrl.u32 v13, $0x10;
	v9 =	vld.idx.msk [tilespmem:v9+s4+$0x0], $0xffff;
	v1 =	vmul.f32 v1, v12  }
0x56: {  	v6 =	vld.idx.msk [tilespmem:v8+s4+$0x0], $0xffff;
	v8 =	vshrl.u32 v11, $0x10;
	v2 =	vmul.f32 v2, v15;
	v0 =	vsub.f32 $1.000000000e+00, v0  }
0x57: {  	s9 =	simm.s32 $0x17080;
	v56 =	vld.idx.msk [tilespmem:v26+s4+$0x0], $0xffff;
	v3 =	vmul.f32 v3, v18;
	v1 =	vsub.f32 $1.000000000e+00, v1  }
0x58: {  	v57 =	vand.u32 $0xFFFF, v14;
	v59 =	vld.idx.msk [tilespmem:v27+s4+$0x0], $0xffff;
	[tilespmem:s9+$0x70] =	vst v0;
	v0 =	vsub.f32 $1.000000000e+00, v2;
	v2 =	vmul.f32 v4, v20  }
0x59: {  	v58 =	vshrl.u32 v14, $0x10;
	v4 =	vld.idx.msk [tilespmem:v10+s4+$0x0], $0xffff;
	[tilespmem:s9+$0xFFFFFF90] =	vst v1;
	v1 =	vsub.f32 $1.000000000e+00, v3;
	v3 =	vmul.f32 v19, v22  }
0x5a: {  	v60 =	vand.u32 $0xFFFF, v16;
	v13 =	vld.idx.msk [tilespmem:v13+s4+$0x0], $0xffff;
	[tilespmem:s9+$0xFFFFFFA0] =	vst v0;
	v0 =	vsub.f32 $1.000000000e+00, v2;
	v2 =	vmul.f32 v5, v21  }
0x5b: {  	v5 =	vld.idx.msk [tilespmem:v8+s4+$0x0], $0xffff;
	v8 =	vshrl.u32 v16, $0x10;
	[tilespmem:s9+$0xFFFFFFB0] =	vst v1;
	v1 =	vsub.f32 $1.000000000e+00, v3;
	v3 =	vmul.f32 v7, v23  }
0x5c: {  	v61 =	vand.u32 $0xFFFF, v17;
	v6 =	vmul.f32 v6, v24;
	v7 =	vld.idx.msk [tilespmem:v55+s4+$0x0], $0xffff;
	[tilespmem:s9+$0xFFFFFFC0] =	vst v0;
	v2 =	vsub.f32 $1.000000000e+00, v2  }
0x5d: {  	v62 =	vshrl.u32 v17, $0x10;
	v9 =	vmul.f32 v9, v54;
	[tilespmem:s9+$0xFFFFFF80] =	vst v1;
	v1 =	vsub.f32 $1.000000000e+00, v3;
	v0 =	vld.idx.msk [tilespmem:v57+s4+$0x0], $0xffff  }
0x5e: {  	v3 =	vld.idx.msk [tilespmem:v58+s4+$0x0], $0xffff;
	v4 =	vmul.f32 v4, v56;
	[tilespmem:s9+$0xFFFFFFD0] =	vst v2;
	v2 =	vsub.f32 $1.000000000e+00, v6  }
0x5f: {  	[tilespmem:s9+$0xFFFFFFE0] =	vst v1;
	v6 =	vsub.f32 $1.000000000e+00, v9;
	v1 =	vld.idx.msk [tilespmem:v60+s4+$0x0], $0xffff  }
0x60: {  	v63 =	vsub.f32 $1.000000000e+00, v4;
	v5 =	vmul.f32 v5, v59;
	v4 =	vld.idx.msk [tilespmem:v8+s4+$0x0], $0xffff;
	[tilespmem:s9+$0xFFFFFFF0] =	vst v2  }
0x61: {  	[tilespmem:s9+$0x0] =	vst v6;
	v2 =	vld.idx.msk [tilespmem:v61+s4+$0x0], $0xffff  }
0x62: {  	s10 =	simm.s32 $0x0;
	s11 =	simm.s32 $0x11180;
	v7 =	vmul.f32 v13, v7;
	[tilespmem:s9+$0x10] =	vst v63;
	v6 =	vsub.f32 $1.000000000e+00, v5;
	v5 =	vld.idx.msk [tilespmem:v62+s4+$0x0], $0xffff  }
.LBB2_3:
0x63: {  	v8 =	vld [tilespmem:s11+$0x70]  }
0x64: {  	s10 =	sadd.s32 $0x10, s10;
	v0 =	vmul.f32 v3, v0;
	v9 =	vld [tilespmem:s11+$0xFFFFFF90];
	[tilespmem:s9+$0x20] =	vst v6;
	v6 =	vsub.f32 $1.000000000e+00, v7  }
0x65: {  	p1 =	slt.u32 s10, $0x1F0;
	v3 =	vld [tilespmem:s11+$0xFFFFFFA0]  }
0x66: {  	v0 =	vsub.f32 $1.000000000e+00, v0;
	v1 =	vmul.f32 v4, v1;
	v7 =	vld [tilespmem:s11+$0xFFFFFFB0];
	[tilespmem:s9+$0x30] =	vst v6  }
0x67: {  	v4 =	vld [tilespmem:s11+$0xFFFFFFC0]  }
0x68: {  	v6 =	vld [tilespmem:s11+$0xFFFFFFD0];
	v10 =	vand.u32 $0xFFFF, v8;
	[tilespmem:s9+$0x40] =	vst v0;
	v0 =	vsub.f32 $1.000000000e+00, v1;
	v1 =	vmul.f32 v5, v2  }
0x69: {  	v8 =	vshrl.u32 v8, $0x10;
	v2 =	vshrl.u32 v9, $0x10;
	v5 =	vand.u32 $0xFFFF, v9;
	v9 =	vld [tilespmem:s11+$0xFFFFFFE0]  }
0x6a: {  	v11 =	vshrl.u32 v3, $0x10;
	v3 =	vand.u32 $0xFFFF, v3;
	v12 =	vld [tilespmem:s11+$0xFFFFFFF0];
	[tilespmem:s9+$0x50] =	vst v0;
	v0 =	vsub.f32 $1.000000000e+00, v1  }
0x6b: {  	v1 =	vshrl.u32 v7, $0x10;
	v7 =	vand.u32 $0xFFFF, v7;
	v13 =	vld [tilespmem:s11+$0x0]  }
0x6c: {  	v14 =	vshrl.u32 v4, $0x10;
	v4 =	vand.u32 $0xFFFF, v4;
	v15 =	vld [tilespmem:s11+$0x10];
	[tilespmem:s9+$0x60] =	vst v0  }
0x6d: {  	v0 =	vshrl.u32 v6, $0x10;
	v6 =	vand.u32 $0xFFFF, v6;
	v10 =	vld.idx.msk [tilespmem:v10+s4+$0x0], $0xffff  }
0x6e: {  	v16 =	vshrl.u32 v9, $0x10;
	v9 =	vand.u32 $0xFFFF, v9;
	v8 =	vld.idx.msk [tilespmem:v8+s4+$0x0], $0xffff  }
0x6f: {  	v17 =	vshrl.u32 v12, $0x10;
	v12 =	vand.u32 $0xFFFF, v12;
	v18 =	vld [tilespmem:s11+$0x20]  }
0x70: {  	v19 =	vshrl.u32 v13, $0x10;
	v13 =	vand.u32 $0xFFFF, v13;
	v20 =	vld [tilespmem:s11+$0x30]  }
0x71: {  	v21 =	vshrl.u32 v15, $0x10;
	v15 =	vand.u32 $0xFFFF, v15;
	v22 =	vld [tilespmem:s11+$0x40]  }
0x72: {  	v23 =	vld [tilespmem:s11+$0x50]  }
0x73: {  	v24 =	vld [tilespmem:s11+$0x60]  }
0x74: {  	v8 =	vmul.f32 v8, v10;
	v25 =	vld [tilespmem:s11+$0xFFFFFF80];
	v26 =	vshrl.u32 v18, $0x10;
	v18 =	vand.u32 $0xFFFF, v18  }
0x75: {  	v5 =	vld.idx.msk [tilespmem:v5+s4+$0x0], $0xffff;
	v10 =	vshrl.u32 v20, $0x10;
	v20 =	vand.u32 $0xFFFF, v20  }
0x76: {  	v8 =	vsub.f32 $1.000000000e+00, v8;
	v2 =	vld.idx.msk [tilespmem:v2+s4+$0x0], $0xffff;
	v27 =	vshrl.u32 v22, $0x10;
	v22 =	vand.u32 $0xFFFF, v22  }
0x77: {  	s9 =	sadd.s32 $0x100, s9;
	v3 =	vld.idx.msk [tilespmem:v3+s4+$0x0], $0xffff;
	v28 =	vshrl.u32 v23, $0x10;
	v23 =	vand.u32 $0xFFFF, v23  }
0x78: {  	v11 =	vld.idx.msk [tilespmem:v11+s4+$0x0], $0xffff;
	v29 =	vshrl.u32 v24, $0x10;
	v24 =	vand.u32 $0xFFFF, v24;
	[tilespmem:s9+$0x70] =	vst v8  }
0x79: {  	v8 =	vshrl.u32 v25, $0x10;
	v25 =	vand.u32 $0xFFFF, v25;
	v7 =	vld.idx.msk [tilespmem:v7+s4+$0x0], $0xffff  }
0x7a: {  	v1 =	vld.idx.msk [tilespmem:v1+s4+$0x0], $0xffff  }
0x7b: {  	v4 =	vld.idx.msk [tilespmem:v4+s4+$0x0], $0xffff  }
0x7c: {  	v2 =	vmul.f32 v2, v5;
	v5 =	vld.idx.msk [tilespmem:v14+s4+$0x0], $0xffff  }
0x7d: {  	v6 =	vld.idx.msk [tilespmem:v6+s4+$0x0], $0xffff  }
0x7e: {  	v2 =	vsub.f32 $1.000000000e+00, v2;
	v3 =	vmul.f32 v11, v3;
	v14 =	vld.idx.msk [tilespmem:v25+s4+$0x0], $0xffff  }
0x7f: {  	v8 =	vld.idx.msk [tilespmem:v8+s4+$0x0], $0xffff  }
0x80: {  	v1 =	vmul.f32 v1, v7;
	[tilespmem:s9+$0xFFFFFF90] =	vst v2;
	v2 =	vsub.f32 $1.000000000e+00, v3;
	v0 =	vld.idx.msk [tilespmem:v0+s4+$0x0], $0xffff  }
0x81: {  	v3 =	vld.idx.msk [tilespmem:v9+s4+$0x0], $0xffff  }
0x82: {  	v1 =	vsub.f32 $1.000000000e+00, v1;
	[tilespmem:s9+$0xFFFFFFA0] =	vst v2;
	v2 =	vmul.f32 v5, v4;
	v4 =	vld.idx.msk [tilespmem:v16+s4+$0x0], $0xffff  }
0x83: {  	v5 =	vld.idx.msk [tilespmem:v12+s4+$0x0], $0xffff  }
0x84: {  	[tilespmem:s9+$0xFFFFFFB0] =	vst v1;
	v1 =	vsub.f32 $1.000000000e+00, v2;
	v2 =	vld.idx.msk [tilespmem:v17+s4+$0x0], $0xffff  }
0x85: {  	v7 =	vmul.f32 v8, v14;
	v8 =	vld.idx.msk [tilespmem:v13+s4+$0x0], $0xffff  }
0x86: {  	v0 =	vmul.f32 v0, v6;
	[tilespmem:s9+$0xFFFFFFC0] =	vst v1;
	v1 =	vld.idx.msk [tilespmem:v19+s4+$0x0], $0xffff  }
0x87: {  	v6 =	vsub.f32 $1.000000000e+00, v7;
	v7 =	vld.idx.msk [tilespmem:v15+s4+$0x0], $0xffff  }
0x88: {  	v0 =	vsub.f32 $1.000000000e+00, v0;
	v3 =	vmul.f32 v4, v3;
	v4 =	vld.idx.msk [tilespmem:v21+s4+$0x0], $0xffff  }
0x89: {  	[tilespmem:s9+$0xFFFFFF80] =	vst v6;
	v6 =	vld.idx.msk [tilespmem:v18+s4+$0x0], $0xffff  }
0x8a: {  	v2 =	vmul.f32 v2, v5;
	[tilespmem:s9+$0xFFFFFFD0] =	vst v0;
	v0 =	vsub.f32 $1.000000000e+00, v3;
	v5 =	vld.idx.msk [tilespmem:v26+s4+$0x0], $0xffff  }
0x8b: {  	v9 =	vld.idx.msk [tilespmem:v20+s4+$0x0], $0xffff  }
0x8c: {  	v2 =	vsub.f32 $1.000000000e+00, v2;
	v1 =	vmul.f32 v1, v8;
	[tilespmem:s9+$0xFFFFFFE0] =	vst v0;
	v8 =	vld.idx.msk [tilespmem:v10+s4+$0x0], $0xffff  }
0x8d: {  	v0 =	vld.idx.msk [tilespmem:v22+s4+$0x0], $0xffff  }
.Ltmp0:
0x8e: {  	v4 =	vmul.f32 v4, v7;
	[tilespmem:s9+$0xFFFFFFF0] =	vst v2;
	v2 =	vsub.f32 $1.000000000e+00, v1;
	v3 =	vld.idx.msk [tilespmem:v27+s4+$0x0], $0xffff;
	(pc) =	sbr.rel @p1 .LBB2_3-.Ltmp0, $4  }
0x8f: {  	v1 =	vld.idx.msk [tilespmem:v23+s4+$0x0], $0xffff  }
0x90: {  	v7 =	vsub.f32 $1.000000000e+00, v4;
	v5 =	vmul.f32 v5, v6;
	[tilespmem:s9+$0x0] =	vst v2;
	v4 =	vld.idx.msk [tilespmem:v28+s4+$0x0], $0xffff  }
0x91: {  	v2 =	vld.idx.msk [tilespmem:v24+s4+$0x0], $0xffff  }
0x92: {  	s11 =	sadd.s32 $0x100, s11;
	v6 =	vsub.f32 $1.000000000e+00, v5;
	[tilespmem:s9+$0x10] =	vst v7;
	v7 =	vmul.f32 v8, v9;
	v5 =	vld.idx.msk [tilespmem:v29+s4+$0x0], $0xffff  }
0x93: {  	_ =	sdelay $0x1  }
0x94: {  	v0 =	vmul.f32 v3, v0  }
0x95: {  	v3 =	vsub.f32 $1.000000000e+00, v7;
	v1 =	vmul.f32 v4, v1  }
0x96: {  	[tilespmem:s9+$0x20] =	vst v6;
	v0 =	vsub.f32 $1.000000000e+00, v0;
	v2 =	vmul.f32 v5, v2  }
0x97: {  	[tilespmem:s9+$0x30] =	vst v3;
	v1 =	vsub.f32 $1.000000000e+00, v1  }
0x98: {  	[tilespmem:s9+$0x40] =	vst v0;
	v0 =	vsub.f32 $1.000000000e+00, v2  }
0x99: {  	[tilespmem:s9+$0x50] =	vst v1  }
0x9a: {  	[tilespmem:s9+$0x60] =	vst v0  }
0x9b: {  	s9 =	rddreg [dreg:$0x9]  }
0x9c: {  	[tilespmem:s24], [sflag:$0x2] =	stream.linear.gather [spmem:s9], $0x2000, $0x38;
	[tilespmem:$0x1D000] =	vst v63  }
0x9d: {  	s10 =	sadd.s32 s12, s8  }
0x9e: {  	[hbm4b:s10+s22] =	stream.strided.scatter [tilespmem:s30], [sflag:$0x5], $0x2000, s23, s22, $0x38;
	[tilespmem:$0x1D000] =	vst v63  }
0x9f: {  	_ =	swait.ge [sflag:s31], $0x2000  }
0xa0: {  	[sflag:s31] =	ssyncset.done $0x0  }
0xa1: {  	s11 =	simm.s32 $0x13080;
	[sflag:s31] =	ssyncadd.s32 $0xFFFFE000  }
0xa2: {  	v0 =	vld [tilespmem:s11+$0x70]  }
0xa3: {  	v1 =	vld [tilespmem:s11+$0xFFFFFF90]  }
0xa4: {  	v2 =	vld [tilespmem:s11+$0xFFFFFFA0]  }
0xa5: {  	v3 =	vld [tilespmem:s11+$0xFFFFFFB0]  }
0xa6: {  	v4 =	vld [tilespmem:s11+$0xFFFFFFC0]  }
0xa7: {  	v5 =	vld [tilespmem:s11+$0xFFFFFFD0]  }
0xa8: {  	v7 =	vld [tilespmem:s11+$0xFFFFFFE0]  }
0xa9: {  	v8 =	vld [tilespmem:s11+$0xFFFFFFF0]  }
0xaa: {  	v9 =	vld [tilespmem:s11+$0x0]  }
0xab: {  	v10 =	vld [tilespmem:s11+$0x10]  }
0xac: {  	v11 =	vld [tilespmem:s11+$0x20]  }
0xad: {  	v13 =	vld [tilespmem:s11+$0x30];
	v6 =	vand.u32 $0xFFFF, v0  }
0xae: {  	v14 =	vld [tilespmem:s11+$0x40];
	v0 =	vshrl.u32 v0, $0x10  }
0xaf: {  	v16 =	vld [tilespmem:s11+$0x50];
	v12 =	vand.u32 $0xFFFF, v1  }
0xb0: {  	v17 =	vld [tilespmem:s11+$0x60];
	v1 =	vshrl.u32 v1, $0x10  }
0xb1: {  	v19 =	vld [tilespmem:s11+$0xFFFFFF80];
	v15 =	vand.u32 $0xFFFF, v2  }
0xb2: {  	v2 =	vshrl.u32 v2, $0x10;
	v6 =	vld.idx.msk [tilespmem:v6+s4+$0x0], $0xffff  }
0xb3: {  	v18 =	vand.u32 $0xFFFF, v3;
	v0 =	vld.idx.msk [tilespmem:v0+s4+$0x0], $0xffff  }
0xb4: {  	v3 =	vshrl.u32 v3, $0x10;
	v12 =	vld.idx.msk [tilespmem:v12+s4+$0x0], $0xffff  }
0xb5: {  	v20 =	vand.u32 $0xFFFF, v4;
	v1 =	vld.idx.msk [tilespmem:v1+s4+$0x0], $0xffff  }
0xb6: {  	v4 =	vshrl.u32 v4, $0x10;
	v15 =	vld.idx.msk [tilespmem:v15+s4+$0x0], $0xffff  }
0xb7: {  	v21 =	vand.u32 $0xFFFF, v5;
	v2 =	vld.idx.msk [tilespmem:v2+s4+$0x0], $0xffff  }
0xb8: {  	v22 =	vand.u32 $0xFFFF, v19;
	v18 =	vld.idx.msk [tilespmem:v18+s4+$0x0], $0xffff  }
0xb9: {  	v19 =	vshrl.u32 v19, $0x10;
	v3 =	vld.idx.msk [tilespmem:v3+s4+$0x0], $0xffff  }
0xba: {  	v5 =	vshrl.u32 v5, $0x10;
	v20 =	vld.idx.msk [tilespmem:v20+s4+$0x0], $0xffff  }
0xbb: {  	v23 =	vand.u32 $0xFFFF, v7;
	v4 =	vld.idx.msk [tilespmem:v4+s4+$0x0], $0xffff  }
0xbc: {  	v7 =	vshrl.u32 v7, $0x10;
	v21 =	vld.idx.msk [tilespmem:v21+s4+$0x0], $0xffff  }
0xbd: {  	v24 =	vand.u32 $0xFFFF, v8;
	v22 =	vld.idx.msk [tilespmem:v22+s4+$0x0], $0xffff  }
0xbe: {  	v25 =	vand.u32 $0xFFFF, v9;
	v19 =	vld.idx.msk [tilespmem:v19+s4+$0x0], $0xffff  }
0xbf: {  	v9 =	vshrl.u32 v9, $0x10;
	v5 =	vld.idx.msk [tilespmem:v5+s4+$0x0], $0xffff  }
0xc0: {  	v8 =	vshrl.u32 v8, $0x10;
	v23 =	vld.idx.msk [tilespmem:v23+s4+$0x0], $0xffff  }
0xc1: {  	v26 =	vand.u32 $0xFFFF, v10;
	v7 =	vld.idx.msk [tilespmem:v7+s4+$0x0], $0xffff  }
0xc2: {  	v27 =	vand.u32 $0xFFFF, v11;
	v24 =	vld.idx.msk [tilespmem:v24+s4+$0x0], $0xffff  }
0xc3: {  	v10 =	vshrl.u32 v10, $0x10;
	v54 =	vld.idx.msk [tilespmem:v25+s4+$0x0], $0xffff;
	v0 =	vmul.f32 v0, v6  }
0xc4: {  	v55 =	vand.u32 $0xFFFF, v13;
	v13 =	vshrl.u32 v13, $0x10;
	v9 =	vld.idx.msk [tilespmem:v9+s4+$0x0], $0xffff;
	v1 =	vmul.f32 v1, v12  }
0xc5: {  	v6 =	vld.idx.msk [tilespmem:v8+s4+$0x0], $0xffff;
	v8 =	vshrl.u32 v11, $0x10;
	v2 =	vmul.f32 v2, v15;
	v0 =	vsub.f32 $1.000000000e+00, v0  }
0xc6: {  	s9 =	simm.s32 $0x19080;
	v56 =	vld.idx.msk [tilespmem:v26+s4+$0x0], $0xffff;
	v3 =	vmul.f32 v3, v18;
	v1 =	vsub.f32 $1.000000000e+00, v1  }
0xc7: {  	v57 =	vand.u32 $0xFFFF, v14;
	v59 =	vld.idx.msk [tilespmem:v27+s4+$0x0], $0xffff;
	[tilespmem:s9+$0x70] =	vst v0;
	v0 =	vsub.f32 $1.000000000e+00, v2;
	v2 =	vmul.f32 v4, v20  }
0xc8: {  	v58 =	vshrl.u32 v14, $0x10;
	v4 =	vld.idx.msk [tilespmem:v10+s4+$0x0], $0xffff;
	[tilespmem:s9+$0xFFFFFF90] =	vst v1;
	v1 =	vsub.f32 $1.000000000e+00, v3;
	v3 =	vmul.f32 v19, v22  }
0xc9: {  	v60 =	vand.u32 $0xFFFF, v16;
	v13 =	vld.idx.msk [tilespmem:v13+s4+$0x0], $0xffff;
	[tilespmem:s9+$0xFFFFFFA0] =	vst v0;
	v0 =	vsub.f32 $1.000000000e+00, v2;
	v2 =	vmul.f32 v5, v21  }
0xca: {  	v5 =	vld.idx.msk [tilespmem:v8+s4+$0x0], $0xffff;
	v8 =	vshrl.u32 v16, $0x10;
	[tilespmem:s9+$0xFFFFFFB0] =	vst v1;
	v1 =	vsub.f32 $1.000000000e+00, v3;
	v3 =	vmul.f32 v7, v23  }
0xcb: {  	v61 =	vand.u32 $0xFFFF, v17;
	v6 =	vmul.f32 v6, v24;
	v7 =	vld.idx.msk [tilespmem:v55+s4+$0x0], $0xffff;
	[tilespmem:s9+$0xFFFFFFC0] =	vst v0;
	v2 =	vsub.f32 $1.000000000e+00, v2  }
0xcc: {  	v62 =	vshrl.u32 v17, $0x10;
	v9 =	vmul.f32 v9, v54;
	[tilespmem:s9+$0xFFFFFF80] =	vst v1;
	v1 =	vsub.f32 $1.000000000e+00, v3;
	v0 =	vld.idx.msk [tilespmem:v57+s4+$0x0], $0xffff  }
0xcd: {  	v3 =	vld.idx.msk [tilespmem:v58+s4+$0x0], $0xffff;
	v4 =	vmul.f32 v4, v56;
	[tilespmem:s9+$0xFFFFFFD0] =	vst v2;
	v2 =	vsub.f32 $1.000000000e+00, v6  }
0xce: {  	[tilespmem:s9+$0xFFFFFFE0] =	vst v1;
	v6 =	vsub.f32 $1.000000000e+00, v9;
	v1 =	vld.idx.msk [tilespmem:v60+s4+$0x0], $0xffff  }
0xcf: {  	v63 =	vsub.f32 $1.000000000e+00, v4;
	v5 =	vmul.f32 v5, v59;
	v4 =	vld.idx.msk [tilespmem:v8+s4+$0x0], $0xffff;
	[tilespmem:s9+$0xFFFFFFF0] =	vst v2  }
0xd0: {  	[tilespmem:s9+$0x0] =	vst v6;
	v2 =	vld.idx.msk [tilespmem:v61+s4+$0x0], $0xffff  }
0xd1: {  	s10 =	simm.s32 $0x0;
	s11 =	simm.s32 $0x13180;
	v7 =	vmul.f32 v13, v7;
	[tilespmem:s9+$0x10] =	vst v63;
	v6 =	vsub.f32 $1.000000000e+00, v5;
	v5 =	vld.idx.msk [tilespmem:v62+s4+$0x0], $0xffff  }
.LBB2_5:
0xd2: {  	v8 =	vld [tilespmem:s11+$0x70]  }
0xd3: {  	s10 =	sadd.s32 $0x10, s10;
	v0 =	vmul.f32 v3, v0;
	v9 =	vld [tilespmem:s11+$0xFFFFFF90];
	[tilespmem:s9+$0x20] =	vst v6;
	v6 =	vsub.f32 $1.000000000e+00, v7  }
0xd4: {  	p1 =	slt.u32 s10, $0x1F0;
	v3 =	vld [tilespmem:s11+$0xFFFFFFA0]  }
0xd5: {  	v0 =	vsub.f32 $1.000000000e+00, v0;
	v1 =	vmul.f32 v4, v1;
	v7 =	vld [tilespmem:s11+$0xFFFFFFB0];
	[tilespmem:s9+$0x30] =	vst v6  }
0xd6: {  	v4 =	vld [tilespmem:s11+$0xFFFFFFC0]  }
0xd7: {  	v6 =	vld [tilespmem:s11+$0xFFFFFFD0];
	v10 =	vand.u32 $0xFFFF, v8;
	[tilespmem:s9+$0x40] =	vst v0;
	v0 =	vsub.f32 $1.000000000e+00, v1;
	v1 =	vmul.f32 v5, v2  }
0xd8: {  	v8 =	vshrl.u32 v8, $0x10;
	v2 =	vshrl.u32 v9, $0x10;
	v5 =	vand.u32 $0xFFFF, v9;
	v9 =	vld [tilespmem:s11+$0xFFFFFFE0]  }
0xd9: {  	v11 =	vshrl.u32 v3, $0x10;
	v3 =	vand.u32 $0xFFFF, v3;
	v12 =	vld [tilespmem:s11+$0xFFFFFFF0];
	[tilespmem:s9+$0x50] =	vst v0;
	v0 =	vsub.f32 $1.000000000e+00, v1  }
0xda: {  	v1 =	vshrl.u32 v7, $0x10;
	v7 =	vand.u32 $0xFFFF, v7;
	v13 =	vld [tilespmem:s11+$0x0]  }
0xdb: {  	v14 =	vshrl.u32 v4, $0x10;
	v4 =	vand.u32 $0xFFFF, v4;
	v15 =	vld [tilespmem:s11+$0x10];
	[tilespmem:s9+$0x60] =	vst v0  }
0xdc: {  	v0 =	vshrl.u32 v6, $0x10;
	v6 =	vand.u32 $0xFFFF, v6;
	v10 =	vld.idx.msk [tilespmem:v10+s4+$0x0], $0xffff  }
0xdd: {  	v16 =	vshrl.u32 v9, $0x10;
	v9 =	vand.u32 $0xFFFF, v9;
	v8 =	vld.idx.msk [tilespmem:v8+s4+$0x0], $0xffff  }
0xde: {  	v17 =	vshrl.u32 v12, $0x10;
	v12 =	vand.u32 $0xFFFF, v12;
	v18 =	vld [tilespmem:s11+$0x20]  }
0xdf: {  	v19 =	vshrl.u32 v13, $0x10;
	v13 =	vand.u32 $0xFFFF, v13;
	v20 =	vld [tilespmem:s11+$0x30]  }
0xe0: {  	v21 =	vshrl.u32 v15, $0x10;
	v15 =	vand.u32 $0xFFFF, v15;
	v22 =	vld [tilespmem:s11+$0x40]  }
0xe1: {  	v23 =	vld [tilespmem:s11+$0x50]  }
0xe2: {  	v24 =	vld [tilespmem:s11+$0x60]  }
0xe3: {  	v8 =	vmul.f32 v8, v10;
	v25 =	vld [tilespmem:s11+$0xFFFFFF80];
	v26 =	vshrl.u32 v18, $0x10;
	v18 =	vand.u32 $0xFFFF, v18  }
0xe4: {  	v5 =	vld.idx.msk [tilespmem:v5+s4+$0x0], $0xffff;
	v10 =	vshrl.u32 v20, $0x10;
	v20 =	vand.u32 $0xFFFF, v20  }
0xe5: {  	v8 =	vsub.f32 $1.000000000e+00, v8;
	v2 =	vld.idx.msk [tilespmem:v2+s4+$0x0], $0xffff;
	v27 =	vshrl.u32 v22, $0x10;
	v22 =	vand.u32 $0xFFFF, v22  }
0xe6: {  	s9 =	sadd.s32 $0x100, s9;
	v3 =	vld.idx.msk [tilespmem:v3+s4+$0x0], $0xffff;
	v28 =	vshrl.u32 v23, $0x10;
	v23 =	vand.u32 $0xFFFF, v23  }
0xe7: {  	v11 =	vld.idx.msk [tilespmem:v11+s4+$0x0], $0xffff;
	v29 =	vshrl.u32 v24, $0x10;
	v24 =	vand.u32 $0xFFFF, v24;
	[tilespmem:s9+$0x70] =	vst v8  }
0xe8: {  	v8 =	vshrl.u32 v25, $0x10;
	v25 =	vand.u32 $0xFFFF, v25;
	v7 =	vld.idx.msk [tilespmem:v7+s4+$0x0], $0xffff  }
0xe9: {  	v1 =	vld.idx.msk [tilespmem:v1+s4+$0x0], $0xffff  }
0xea: {  	v4 =	vld.idx.msk [tilespmem:v4+s4+$0x0], $0xffff  }
0xeb: {  	v2 =	vmul.f32 v2, v5;
	v5 =	vld.idx.msk [tilespmem:v14+s4+$0x0], $0xffff  }
0xec: {  	v6 =	vld.idx.msk [tilespmem:v6+s4+$0x0], $0xffff  }
0xed: {  	v2 =	vsub.f32 $1.000000000e+00, v2;
	v3 =	vmul.f32 v11, v3;
	v14 =	vld.idx.msk [tilespmem:v25+s4+$0x0], $0xffff  }
0xee: {  	v8 =	vld.idx.msk [tilespmem:v8+s4+$0x0], $0xffff  }
0xef: {  	v1 =	vmul.f32 v1, v7;
	[tilespmem:s9+$0xFFFFFF90] =	vst v2;
	v2 =	vsub.f32 $1.000000000e+00, v3;
	v0 =	vld.idx.msk [tilespmem:v0+s4+$0x0], $0xffff  }
0xf0: {  	v3 =	vld.idx.msk [tilespmem:v9+s4+$0x0], $0xffff  }
0xf1: {  	v1 =	vsub.f32 $1.000000000e+00, v1;
	[tilespmem:s9+$0xFFFFFFA0] =	vst v2;
	v2 =	vmul.f32 v5, v4;
	v4 =	vld.idx.msk [tilespmem:v16+s4+$0x0], $0xffff  }
0xf2: {  	v5 =	vld.idx.msk [tilespmem:v12+s4+$0x0], $0xffff  }
0xf3: {  	[tilespmem:s9+$0xFFFFFFB0] =	vst v1;
	v1 =	vsub.f32 $1.000000000e+00, v2;
	v2 =	vld.idx.msk [tilespmem:v17+s4+$0x0], $0xffff  }
0xf4: {  	v7 =	vmul.f32 v8, v14;
	v8 =	vld.idx.msk [tilespmem:v13+s4+$0x0], $0xffff  }
0xf5: {  	v0 =	vmul.f32 v0, v6;
	[tilespmem:s9+$0xFFFFFFC0] =	vst v1;
	v1 =	vld.idx.msk [tilespmem:v19+s4+$0x0], $0xffff  }
0xf6: {  	v6 =	vsub.f32 $1.000000000e+00, v7;
	v7 =	vld.idx.msk [tilespmem:v15+s4+$0x0], $0xffff  }
0xf7: {  	v0 =	vsub.f32 $1.000000000e+00, v0;
	v3 =	vmul.f32 v4, v3;
	v4 =	vld.idx.msk [tilespmem:v21+s4+$0x0], $0xffff  }
0xf8: {  	[tilespmem:s9+$0xFFFFFF80] =	vst v6;
	v6 =	vld.idx.msk [tilespmem:v18+s4+$0x0], $0xffff  }
0xf9: {  	v2 =	vmul.f32 v2, v5;
	[tilespmem:s9+$0xFFFFFFD0] =	vst v0;
	v0 =	vsub.f32 $1.000000000e+00, v3;
	v5 =	vld.idx.msk [tilespmem:v26+s4+$0x0], $0xffff  }
0xfa: {  	v9 =	vld.idx.msk [tilespmem:v20+s4+$0x0], $0xffff  }
0xfb: {  	v2 =	vsub.f32 $1.000000000e+00, v2;
	v1 =	vmul.f32 v1, v8;
	[tilespmem:s9+$0xFFFFFFE0] =	vst v0;
	v8 =	vld.idx.msk [tilespmem:v10+s4+$0x0], $0xffff  }
0xfc: {  	v0 =	vld.idx.msk [tilespmem:v22+s4+$0x0], $0xffff  }
.Ltmp1:
0xfd: {  	v4 =	vmul.f32 v4, v7;
	[tilespmem:s9+$0xFFFFFFF0] =	vst v2;
	v2 =	vsub.f32 $1.000000000e+00, v1;
	v3 =	vld.idx.msk [tilespmem:v27+s4+$0x0], $0xffff;
	(pc) =	sbr.rel @p1 .LBB2_5-.Ltmp1, $4  }
0xfe: {  	v1 =	vld.idx.msk [tilespmem:v23+s4+$0x0], $0xffff  }
0xff: {  	v7 =	vsub.f32 $1.000000000e+00, v4;
	v5 =	vmul.f32 v5, v6;
	[tilespmem:s9+$0x0] =	vst v2;
	v4 =	vld.idx.msk [tilespmem:v28+s4+$0x0], $0xffff  }
0x100: {  	v2 =	vld.idx.msk [tilespmem:v24+s4+$0x0], $0xffff  }
0x101: {  	s11 =	sadd.s32 $0x100, s11;
	v6 =	vsub.f32 $1.000000000e+00, v5;
	[tilespmem:s9+$0x10] =	vst v7;
	v7 =	vmul.f32 v8, v9;
	v5 =	vld.idx.msk [tilespmem:v29+s4+$0x0], $0xffff  }
0x102: {  	_ =	sdelay $0x1  }
0x103: {  	v0 =	vmul.f32 v3, v0  }
0x104: {  	v3 =	vsub.f32 $1.000000000e+00, v7;
	v1 =	vmul.f32 v4, v1  }
0x105: {  	[tilespmem:s9+$0x20] =	vst v6;
	v0 =	vsub.f32 $1.000000000e+00, v0;
	v2 =	vmul.f32 v5, v2  }
0x106: {  	[tilespmem:s9+$0x30] =	vst v3;
	v1 =	vsub.f32 $1.000000000e+00, v1  }
0x107: {  	[tilespmem:s9+$0x40] =	vst v0;
	v0 =	vsub.f32 $1.000000000e+00, v2  }
0x108: {  	[tilespmem:s9+$0x50] =	vst v1  }
0x109: {  	[tilespmem:s9+$0x60] =	vst v0  }
0x10a: {  	s9 =	rddreg [dreg:$0xa]  }
0x10b: {  	s10 =	rddreg [dreg:$0xb]  }
0x10c: {  	[tilespmem:s25], [sflag:$0x3] =	stream.linear.gather [spmem:s9], $0x2000, $0x38;
	[tilespmem:$0x1D000] =	vst v63  }
0x10d: {  	s9 =	sadd.s32 s8, s10  }
0x10e: {  	[hbm4b:s9+s22] =	stream.strided.scatter [tilespmem:s0], [sflag:$0x6], $0x2000, s23, s22, $0x38;
	[tilespmem:$0x1D000] =	vst v63  }
0x10f: {  	_ =	swait.ge [sflag:s5], $0x2000  }
0x110: {  	[sflag:s5] =	ssyncset.done $0x0  }
0x111: {  	s11 =	simm.s32 $0x15080;
	[sflag:s5] =	ssyncadd.s32 $0xFFFFE000  }
0x112: {  	v0 =	vld [tilespmem:s11+$0x70]  }
0x113: {  	v1 =	vld [tilespmem:s11+$0xFFFFFF90]  }
0x114: {  	v2 =	vld [tilespmem:s11+$0xFFFFFFA0]  }
0x115: {  	v3 =	vld [tilespmem:s11+$0xFFFFFFB0]  }
0x116: {  	v4 =	vld [tilespmem:s11+$0xFFFFFFC0]  }
0x117: {  	v5 =	vld [tilespmem:s11+$0xFFFFFFD0]  }
0x118: {  	v7 =	vld [tilespmem:s11+$0xFFFFFFE0]  }
0x119: {  	v8 =	vld [tilespmem:s11+$0xFFFFFFF0]  }
0x11a: {  	v9 =	vld [tilespmem:s11+$0x0]  }
0x11b: {  	v10 =	vld [tilespmem:s11+$0x10]  }
0x11c: {  	v11 =	vld [tilespmem:s11+$0x20]  }
0x11d: {  	v13 =	vld [tilespmem:s11+$0x30];
	v6 =	vand.u32 $0xFFFF, v0  }
0x11e: {  	v14 =	vld [tilespmem:s11+$0x40];
	v0 =	vshrl.u32 v0, $0x10  }
0x11f: {  	v16 =	vld [tilespmem:s11+$0x50];
	v12 =	vand.u32 $0xFFFF, v1  }
0x120: {  	v17 =	vld [tilespmem:s11+$0x60];
	v1 =	vshrl.u32 v1, $0x10  }
0x121: {  	v19 =	vld [tilespmem:s11+$0xFFFFFF80];
	v15 =	vand.u32 $0xFFFF, v2  }
0x122: {  	v2 =	vshrl.u32 v2, $0x10;
	v6 =	vld.idx.msk [tilespmem:v6+s4+$0x0], $0xffff  }
0x123: {  	v18 =	vand.u32 $0xFFFF, v3;
	v0 =	vld.idx.msk [tilespmem:v0+s4+$0x0], $0xffff  }
0x124: {  	v3 =	vshrl.u32 v3, $0x10;
	v12 =	vld.idx.msk [tilespmem:v12+s4+$0x0], $0xffff  }
0x125: {  	v20 =	vand.u32 $0xFFFF, v4;
	v1 =	vld.idx.msk [tilespmem:v1+s4+$0x0], $0xffff  }
0x126: {  	v4 =	vshrl.u32 v4, $0x10;
	v15 =	vld.idx.msk [tilespmem:v15+s4+$0x0], $0xffff  }
0x127: {  	v21 =	vand.u32 $0xFFFF, v5;
	v2 =	vld.idx.msk [tilespmem:v2+s4+$0x0], $0xffff  }
0x128: {  	v22 =	vand.u32 $0xFFFF, v19;
	v18 =	vld.idx.msk [tilespmem:v18+s4+$0x0], $0xffff  }
0x129: {  	v19 =	vshrl.u32 v19, $0x10;
	v3 =	vld.idx.msk [tilespmem:v3+s4+$0x0], $0xffff  }
0x12a: {  	v5 =	vshrl.u32 v5, $0x10;
	v20 =	vld.idx.msk [tilespmem:v20+s4+$0x0], $0xffff  }
0x12b: {  	v23 =	vand.u32 $0xFFFF, v7;
	v4 =	vld.idx.msk [tilespmem:v4+s4+$0x0], $0xffff  }
0x12c: {  	v7 =	vshrl.u32 v7, $0x10;
	v21 =	vld.idx.msk [tilespmem:v21+s4+$0x0], $0xffff  }
0x12d: {  	v24 =	vand.u32 $0xFFFF, v8;
	v22 =	vld.idx.msk [tilespmem:v22+s4+$0x0], $0xffff  }
0x12e: {  	v25 =	vand.u32 $0xFFFF, v9;
	v19 =	vld.idx.msk [tilespmem:v19+s4+$0x0], $0xffff  }
0x12f: {  	v9 =	vshrl.u32 v9, $0x10;
	v5 =	vld.idx.msk [tilespmem:v5+s4+$0x0], $0xffff  }
0x130: {  	v8 =	vshrl.u32 v8, $0x10;
	v23 =	vld.idx.msk [tilespmem:v23+s4+$0x0], $0xffff  }
0x131: {  	v26 =	vand.u32 $0xFFFF, v10;
	v7 =	vld.idx.msk [tilespmem:v7+s4+$0x0], $0xffff  }
0x132: {  	v27 =	vand.u32 $0xFFFF, v11;
	v24 =	vld.idx.msk [tilespmem:v24+s4+$0x0], $0xffff  }
0x133: {  	v10 =	vshrl.u32 v10, $0x10;
	v54 =	vld.idx.msk [tilespmem:v25+s4+$0x0], $0xffff;
	v0 =	vmul.f32 v0, v6  }
0x134: {  	v55 =	vand.u32 $0xFFFF, v13;
	v13 =	vshrl.u32 v13, $0x10;
	v9 =	vld.idx.msk [tilespmem:v9+s4+$0x0], $0xffff;
	v1 =	vmul.f32 v1, v12  }
0x135: {  	v6 =	vld.idx.msk [tilespmem:v8+s4+$0x0], $0xffff;
	v8 =	vshrl.u32 v11, $0x10;
	v2 =	vmul.f32 v2, v15;
	v0 =	vsub.f32 $1.000000000e+00, v0  }
0x136: {  	s9 =	simm.s32 $0x1B080;
	v56 =	vld.idx.msk [tilespmem:v26+s4+$0x0], $0xffff;
	v3 =	vmul.f32 v3, v18;
	v1 =	vsub.f32 $1.000000000e+00, v1  }
0x137: {  	v57 =	vand.u32 $0xFFFF, v14;
	v59 =	vld.idx.msk [tilespmem:v27+s4+$0x0], $0xffff;
	[tilespmem:s9+$0x70] =	vst v0;
	v0 =	vsub.f32 $1.000000000e+00, v2;
	v2 =	vmul.f32 v4, v20  }
0x138: {  	v58 =	vshrl.u32 v14, $0x10;
	v4 =	vld.idx.msk [tilespmem:v10+s4+$0x0], $0xffff;
	[tilespmem:s9+$0xFFFFFF90] =	vst v1;
	v1 =	vsub.f32 $1.000000000e+00, v3;
	v3 =	vmul.f32 v19, v22  }
0x139: {  	v60 =	vand.u32 $0xFFFF, v16;
	v13 =	vld.idx.msk [tilespmem:v13+s4+$0x0], $0xffff;
	[tilespmem:s9+$0xFFFFFFA0] =	vst v0;
	v0 =	vsub.f32 $1.000000000e+00, v2;
	v2 =	vmul.f32 v5, v21  }
0x13a: {  	v5 =	vld.idx.msk [tilespmem:v8+s4+$0x0], $0xffff;
	v8 =	vshrl.u32 v16, $0x10;
	[tilespmem:s9+$0xFFFFFFB0] =	vst v1;
	v1 =	vsub.f32 $1.000000000e+00, v3;
	v3 =	vmul.f32 v7, v23  }
0x13b: {  	v61 =	vand.u32 $0xFFFF, v17;
	v6 =	vmul.f32 v6, v24;
	v7 =	vld.idx.msk [tilespmem:v55+s4+$0x0], $0xffff;
	[tilespmem:s9+$0xFFFFFFC0] =	vst v0;
	v2 =	vsub.f32 $1.000000000e+00, v2  }
0x13c: {  	v62 =	vshrl.u32 v17, $0x10;
	v9 =	vmul.f32 v9, v54;
	[tilespmem:s9+$0xFFFFFF80] =	vst v1;
	v1 =	vsub.f32 $1.000000000e+00, v3;
	v0 =	vld.idx.msk [tilespmem:v57+s4+$0x0], $0xffff  }
0x13d: {  	v3 =	vld.idx.msk [tilespmem:v58+s4+$0x0], $0xffff;
	v4 =	vmul.f32 v4, v56;
	[tilespmem:s9+$0xFFFFFFD0] =	vst v2;
	v2 =	vsub.f32 $1.000000000e+00, v6  }
0x13e: {  	[tilespmem:s9+$0xFFFFFFE0] =	vst v1;
	v6 =	vsub.f32 $1.000000000e+00, v9;
	v1 =	vld.idx.msk [tilespmem:v60+s4+$0x0], $0xffff  }
0x13f: {  	v63 =	vsub.f32 $1.000000000e+00, v4;
	v5 =	vmul.f32 v5, v59;
	v4 =	vld.idx.msk [tilespmem:v8+s4+$0x0], $0xffff;
	[tilespmem:s9+$0xFFFFFFF0] =	vst v2  }
0x140: {  	[tilespmem:s9+$0x0] =	vst v6;
	v2 =	vld.idx.msk [tilespmem:v61+s4+$0x0], $0xffff  }
0x141: {  	s10 =	simm.s32 $0x0;
	s11 =	simm.s32 $0x15180;
	v7 =	vmul.f32 v13, v7;
	[tilespmem:s9+$0x10] =	vst v63;
	v6 =	vsub.f32 $1.000000000e+00, v5;
	v5 =	vld.idx.msk [tilespmem:v62+s4+$0x0], $0xffff  }
.LBB2_7:
0x142: {  	v8 =	vld [tilespmem:s11+$0x70]  }
0x143: {  	s10 =	sadd.s32 $0x10, s10;
	v0 =	vmul.f32 v3, v0;
	v9 =	vld [tilespmem:s11+$0xFFFFFF90];
	[tilespmem:s9+$0x20] =	vst v6;
	v6 =	vsub.f32 $1.000000000e+00, v7  }
0x144: {  	p1 =	slt.u32 s10, $0x1F0;
	v3 =	vld [tilespmem:s11+$0xFFFFFFA0]  }
0x145: {  	v0 =	vsub.f32 $1.000000000e+00, v0;
	v1 =	vmul.f32 v4, v1;
	v7 =	vld [tilespmem:s11+$0xFFFFFFB0];
	[tilespmem:s9+$0x30] =	vst v6  }
0x146: {  	v4 =	vld [tilespmem:s11+$0xFFFFFFC0]  }
0x147: {  	v6 =	vld [tilespmem:s11+$0xFFFFFFD0];
	v10 =	vand.u32 $0xFFFF, v8;
	[tilespmem:s9+$0x40] =	vst v0;
	v0 =	vsub.f32 $1.000000000e+00, v1;
	v1 =	vmul.f32 v5, v2  }
0x148: {  	v8 =	vshrl.u32 v8, $0x10;
	v2 =	vshrl.u32 v9, $0x10;
	v5 =	vand.u32 $0xFFFF, v9;
	v9 =	vld [tilespmem:s11+$0xFFFFFFE0]  }
0x149: {  	v11 =	vshrl.u32 v3, $0x10;
	v3 =	vand.u32 $0xFFFF, v3;
	v12 =	vld [tilespmem:s11+$0xFFFFFFF0];
	[tilespmem:s9+$0x50] =	vst v0;
	v0 =	vsub.f32 $1.000000000e+00, v1  }
0x14a: {  	v1 =	vshrl.u32 v7, $0x10;
	v7 =	vand.u32 $0xFFFF, v7;
	v13 =	vld [tilespmem:s11+$0x0]  }
0x14b: {  	v14 =	vshrl.u32 v4, $0x10;
	v4 =	vand.u32 $0xFFFF, v4;
	v15 =	vld [tilespmem:s11+$0x10];
	[tilespmem:s9+$0x60] =	vst v0  }
0x14c: {  	v0 =	vshrl.u32 v6, $0x10;
	v6 =	vand.u32 $0xFFFF, v6;
	v10 =	vld.idx.msk [tilespmem:v10+s4+$0x0], $0xffff  }
0x14d: {  	v16 =	vshrl.u32 v9, $0x10;
	v9 =	vand.u32 $0xFFFF, v9;
	v8 =	vld.idx.msk [tilespmem:v8+s4+$0x0], $0xffff  }
0x14e: {  	v17 =	vshrl.u32 v12, $0x10;
	v12 =	vand.u32 $0xFFFF, v12;
	v18 =	vld [tilespmem:s11+$0x20]  }
0x14f: {  	v19 =	vshrl.u32 v13, $0x10;
	v13 =	vand.u32 $0xFFFF, v13;
	v20 =	vld [tilespmem:s11+$0x30]  }
0x150: {  	v21 =	vshrl.u32 v15, $0x10;
	v15 =	vand.u32 $0xFFFF, v15;
	v22 =	vld [tilespmem:s11+$0x40]  }
0x151: {  	v23 =	vld [tilespmem:s11+$0x50]  }
0x152: {  	v24 =	vld [tilespmem:s11+$0x60]  }
0x153: {  	v8 =	vmul.f32 v8, v10;
	v25 =	vld [tilespmem:s11+$0xFFFFFF80];
	v26 =	vshrl.u32 v18, $0x10;
	v18 =	vand.u32 $0xFFFF, v18  }
0x154: {  	v5 =	vld.idx.msk [tilespmem:v5+s4+$0x0], $0xffff;
	v10 =	vshrl.u32 v20, $0x10;
	v20 =	vand.u32 $0xFFFF, v20  }
0x155: {  	v8 =	vsub.f32 $1.000000000e+00, v8;
	v2 =	vld.idx.msk [tilespmem:v2+s4+$0x0], $0xffff;
	v27 =	vshrl.u32 v22, $0x10;
	v22 =	vand.u32 $0xFFFF, v22  }
0x156: {  	s9 =	sadd.s32 $0x100, s9;
	v3 =	vld.idx.msk [tilespmem:v3+s4+$0x0], $0xffff;
	v28 =	vshrl.u32 v23, $0x10;
	v23 =	vand.u32 $0xFFFF, v23  }
0x157: {  	v11 =	vld.idx.msk [tilespmem:v11+s4+$0x0], $0xffff;
	v29 =	vshrl.u32 v24, $0x10;
	v24 =	vand.u32 $0xFFFF, v24;
	[tilespmem:s9+$0x70] =	vst v8  }
0x158: {  	v8 =	vshrl.u32 v25, $0x10;
	v25 =	vand.u32 $0xFFFF, v25;
	v7 =	vld.idx.msk [tilespmem:v7+s4+$0x0], $0xffff  }
0x159: {  	v1 =	vld.idx.msk [tilespmem:v1+s4+$0x0], $0xffff  }
0x15a: {  	v4 =	vld.idx.msk [tilespmem:v4+s4+$0x0], $0xffff  }
0x15b: {  	v2 =	vmul.f32 v2, v5;
	v5 =	vld.idx.msk [tilespmem:v14+s4+$0x0], $0xffff  }
0x15c: {  	v6 =	vld.idx.msk [tilespmem:v6+s4+$0x0], $0xffff  }
0x15d: {  	v2 =	vsub.f32 $1.000000000e+00, v2;
	v3 =	vmul.f32 v11, v3;
	v14 =	vld.idx.msk [tilespmem:v25+s4+$0x0], $0xffff  }
0x15e: {  	v8 =	vld.idx.msk [tilespmem:v8+s4+$0x0], $0xffff  }
0x15f: {  	v1 =	vmul.f32 v1, v7;
	[tilespmem:s9+$0xFFFFFF90] =	vst v2;
	v2 =	vsub.f32 $1.000000000e+00, v3;
	v0 =	vld.idx.msk [tilespmem:v0+s4+$0x0], $0xffff  }
0x160: {  	v3 =	vld.idx.msk [tilespmem:v9+s4+$0x0], $0xffff  }
0x161: {  	v1 =	vsub.f32 $1.000000000e+00, v1;
	[tilespmem:s9+$0xFFFFFFA0] =	vst v2;
	v2 =	vmul.f32 v5, v4;
	v4 =	vld.idx.msk [tilespmem:v16+s4+$0x0], $0xffff  }
0x162: {  	v5 =	vld.idx.msk [tilespmem:v12+s4+$0x0], $0xffff  }
0x163: {  	[tilespmem:s9+$0xFFFFFFB0] =	vst v1;
	v1 =	vsub.f32 $1.000000000e+00, v2;
	v2 =	vld.idx.msk [tilespmem:v17+s4+$0x0], $0xffff  }
0x164: {  	v7 =	vmul.f32 v8, v14;
	v8 =	vld.idx.msk [tilespmem:v13+s4+$0x0], $0xffff  }
0x165: {  	v0 =	vmul.f32 v0, v6;
	[tilespmem:s9+$0xFFFFFFC0] =	vst v1;
	v1 =	vld.idx.msk [tilespmem:v19+s4+$0x0], $0xffff  }
0x166: {  	v6 =	vsub.f32 $1.000000000e+00, v7;
	v7 =	vld.idx.msk [tilespmem:v15+s4+$0x0], $0xffff  }
0x167: {  	v0 =	vsub.f32 $1.000000000e+00, v0;
	v3 =	vmul.f32 v4, v3;
	v4 =	vld.idx.msk [tilespmem:v21+s4+$0x0], $0xffff  }
0x168: {  	[tilespmem:s9+$0xFFFFFF80] =	vst v6;
	v6 =	vld.idx.msk [tilespmem:v18+s4+$0x0], $0xffff  }
0x169: {  	v2 =	vmul.f32 v2, v5;
	[tilespmem:s9+$0xFFFFFFD0] =	vst v0;
	v0 =	vsub.f32 $1.000000000e+00, v3;
	v5 =	vld.idx.msk [tilespmem:v26+s4+$0x0], $0xffff  }
0x16a: {  	v9 =	vld.idx.msk [tilespmem:v20+s4+$0x0], $0xffff  }
0x16b: {  	v2 =	vsub.f32 $1.000000000e+00, v2;
	v1 =	vmul.f32 v1, v8;
	[tilespmem:s9+$0xFFFFFFE0] =	vst v0;
	v8 =	vld.idx.msk [tilespmem:v10+s4+$0x0], $0xffff  }
0x16c: {  	v0 =	vld.idx.msk [tilespmem:v22+s4+$0x0], $0xffff  }
.Ltmp2:
0x16d: {  	v4 =	vmul.f32 v4, v7;
	[tilespmem:s9+$0xFFFFFFF0] =	vst v2;
	v2 =	vsub.f32 $1.000000000e+00, v1;
	v3 =	vld.idx.msk [tilespmem:v27+s4+$0x0], $0xffff;
	(pc) =	sbr.rel @p1 .LBB2_7-.Ltmp2, $4  }
0x16e: {  	v1 =	vld.idx.msk [tilespmem:v23+s4+$0x0], $0xffff  }
0x16f: {  	v7 =	vsub.f32 $1.000000000e+00, v4;
	v5 =	vmul.f32 v5, v6;
	[tilespmem:s9+$0x0] =	vst v2;
	v4 =	vld.idx.msk [tilespmem:v28+s4+$0x0], $0xffff  }
0x170: {  	v2 =	vld.idx.msk [tilespmem:v24+s4+$0x0], $0xffff  }
0x171: {  	s11 =	sadd.s32 $0x100, s11;
	v6 =	vsub.f32 $1.000000000e+00, v5;
	[tilespmem:s9+$0x10] =	vst v7;
	v7 =	vmul.f32 v8, v9;
	v5 =	vld.idx.msk [tilespmem:v29+s4+$0x0], $0xffff  }
0x172: {  	_ =	sdelay $0x1  }
0x173: {  	v0 =	vmul.f32 v3, v0  }
0x174: {  	v3 =	vsub.f32 $1.000000000e+00, v7;
	v1 =	vmul.f32 v4, v1  }
0x175: {  	[tilespmem:s9+$0x20] =	vst v6;
	v0 =	vsub.f32 $1.000000000e+00, v0;
	v2 =	vmul.f32 v5, v2  }
0x176: {  	[tilespmem:s9+$0x30] =	vst v3;
	v1 =	vsub.f32 $1.000000000e+00, v1  }
0x177: {  	[tilespmem:s9+$0x40] =	vst v0;
	v0 =	vsub.f32 $1.000000000e+00, v2  }
0x178: {  	[tilespmem:s9+$0x50] =	vst v1  }
0x179: {  	[tilespmem:s9+$0x60] =	vst v0  }
0x17a: {  	s9 =	rddreg [dreg:$0xc]  }
0x17b: {  	[tilespmem:s26], [sflag:$0x4] =	stream.linear.gather [spmem:s9], $0x2000, $0x38;
	[tilespmem:$0x1D000] =	vst v63  }
0x17c: {  	s10 =	sadd.s32 s8, s13  }
0x17d: {  	[hbm4b:s10+s22] =	stream.strided.scatter [tilespmem:s20], [sflag:$0x7], $0x2000, s23, s22, $0x38;
	[tilespmem:$0x1D000] =	vst v63  }
0x17e: {  	_ =	swait.ge [sflag:s29], $0x2000  }
0x17f: {  	[sflag:s29] =	ssyncset.done $0x0  }
0x180: {  	[sflag:s29] =	ssyncadd.s32 $0xFFFFE000  }
0x181: {  	_ =	swait.ge [sflag:s21], $0x2000  }
0x182: {  	[sflag:s21] =	ssyncset.done $0x0  }
0x183: {  	s11 =	simm.s32 $0x11080;
	[sflag:s21] =	ssyncadd.s32 $0xFFFFE000  }
0x184: {  	v0 =	vld [tilespmem:s11+$0x70]  }
0x185: {  	v1 =	vld [tilespmem:s11+$0xFFFFFF90]  }
0x186: {  	v2 =	vld [tilespmem:s11+$0xFFFFFFA0]  }
0x187: {  	v3 =	vld [tilespmem:s11+$0xFFFFFFB0]  }
0x188: {  	v4 =	vld [tilespmem:s11+$0xFFFFFFC0]  }
0x189: {  	v5 =	vld [tilespmem:s11+$0xFFFFFFD0]  }
0x18a: {  	v7 =	vld [tilespmem:s11+$0xFFFFFFE0]  }
0x18b: {  	v8 =	vld [tilespmem:s11+$0xFFFFFFF0]  }
0x18c: {  	v9 =	vld [tilespmem:s11+$0x0]  }
0x18d: {  	v10 =	vld [tilespmem:s11+$0x10]  }
0x18e: {  	v11 =	vld [tilespmem:s11+$0x20]  }
0x18f: {  	v13 =	vld [tilespmem:s11+$0x30];
	v6 =	vand.u32 $0xFFFF, v0  }
0x190: {  	v14 =	vld [tilespmem:s11+$0x40];
	v0 =	vshrl.u32 v0, $0x10  }
0x191: {  	v16 =	vld [tilespmem:s11+$0x50];
	v12 =	vand.u32 $0xFFFF, v1  }
0x192: {  	v17 =	vld [tilespmem:s11+$0x60];
	v1 =	vshrl.u32 v1, $0x10  }
0x193: {  	v19 =	vld [tilespmem:s11+$0xFFFFFF80];
	v15 =	vand.u32 $0xFFFF, v2  }
0x194: {  	v2 =	vshrl.u32 v2, $0x10;
	v6 =	vld.idx.msk [tilespmem:v6+s4+$0x0], $0xffff  }
0x195: {  	v18 =	vand.u32 $0xFFFF, v3;
	v0 =	vld.idx.msk [tilespmem:v0+s4+$0x0], $0xffff  }
0x196: {  	v3 =	vshrl.u32 v3, $0x10;
	v12 =	vld.idx.msk [tilespmem:v12+s4+$0x0], $0xffff  }
0x197: {  	v20 =	vand.u32 $0xFFFF, v4;
	v1 =	vld.idx.msk [tilespmem:v1+s4+$0x0], $0xffff  }
0x198: {  	v4 =	vshrl.u32 v4, $0x10;
	v15 =	vld.idx.msk [tilespmem:v15+s4+$0x0], $0xffff  }
0x199: {  	v21 =	vand.u32 $0xFFFF, v5;
	v2 =	vld.idx.msk [tilespmem:v2+s4+$0x0], $0xffff  }
0x19a: {  	v22 =	vand.u32 $0xFFFF, v19;
	v18 =	vld.idx.msk [tilespmem:v18+s4+$0x0], $0xffff  }
0x19b: {  	v19 =	vshrl.u32 v19, $0x10;
	v3 =	vld.idx.msk [tilespmem:v3+s4+$0x0], $0xffff  }
0x19c: {  	v5 =	vshrl.u32 v5, $0x10;
	v20 =	vld.idx.msk [tilespmem:v20+s4+$0x0], $0xffff  }
0x19d: {  	v23 =	vand.u32 $0xFFFF, v7;
	v4 =	vld.idx.msk [tilespmem:v4+s4+$0x0], $0xffff  }
0x19e: {  	v7 =	vshrl.u32 v7, $0x10;
	v21 =	vld.idx.msk [tilespmem:v21+s4+$0x0], $0xffff  }
0x19f: {  	v24 =	vand.u32 $0xFFFF, v8;
	v22 =	vld.idx.msk [tilespmem:v22+s4+$0x0], $0xffff  }
0x1a0: {  	v25 =	vand.u32 $0xFFFF, v9;
	v19 =	vld.idx.msk [tilespmem:v19+s4+$0x0], $0xffff  }
0x1a1: {  	v9 =	vshrl.u32 v9, $0x10;
	v5 =	vld.idx.msk [tilespmem:v5+s4+$0x0], $0xffff  }
0x1a2: {  	v8 =	vshrl.u32 v8, $0x10;
	v23 =	vld.idx.msk [tilespmem:v23+s4+$0x0], $0xffff  }
0x1a3: {  	v26 =	vand.u32 $0xFFFF, v10;
	v7 =	vld.idx.msk [tilespmem:v7+s4+$0x0], $0xffff  }
0x1a4: {  	v27 =	vand.u32 $0xFFFF, v11;
	v24 =	vld.idx.msk [tilespmem:v24+s4+$0x0], $0xffff  }
0x1a5: {  	v10 =	vshrl.u32 v10, $0x10;
	v54 =	vld.idx.msk [tilespmem:v25+s4+$0x0], $0xffff;
	v0 =	vmul.f32 v0, v6  }
0x1a6: {  	v55 =	vand.u32 $0xFFFF, v13;
	v13 =	vshrl.u32 v13, $0x10;
	v9 =	vld.idx.msk [tilespmem:v9+s4+$0x0], $0xffff;
	v1 =	vmul.f32 v1, v12  }
0x1a7: {  	v6 =	vld.idx.msk [tilespmem:v8+s4+$0x0], $0xffff;
	v8 =	vshrl.u32 v11, $0x10;
	v2 =	vmul.f32 v2, v15;
	v0 =	vsub.f32 $1.000000000e+00, v0  }
0x1a8: {  	s9 =	simm.s32 $0x17080;
	v56 =	vld.idx.msk [tilespmem:v26+s4+$0x0], $0xffff;
	v3 =	vmul.f32 v3, v18;
	v1 =	vsub.f32 $1.000000000e+00, v1  }
0x1a9: {  	v57 =	vand.u32 $0xFFFF, v14;
	v59 =	vld.idx.msk [tilespmem:v27+s4+$0x0], $0xffff;
	[tilespmem:s9+$0x70] =	vst v0;
	v0 =	vsub.f32 $1.000000000e+00, v2;
	v2 =	vmul.f32 v4, v20  }
0x1aa: {  	v58 =	vshrl.u32 v14, $0x10;
	v4 =	vld.idx.msk [tilespmem:v10+s4+$0x0], $0xffff;
	[tilespmem:s9+$0xFFFFFF90] =	vst v1;
	v1 =	vsub.f32 $1.000000000e+00, v3;
	v3 =	vmul.f32 v19, v22  }
0x1ab: {  	v60 =	vand.u32 $0xFFFF, v16;
	v13 =	vld.idx.msk [tilespmem:v13+s4+$0x0], $0xffff;
	[tilespmem:s9+$0xFFFFFFA0] =	vst v0;
	v0 =	vsub.f32 $1.000000000e+00, v2;
	v2 =	vmul.f32 v5, v21  }
0x1ac: {  	v5 =	vld.idx.msk [tilespmem:v8+s4+$0x0], $0xffff;
	v8 =	vshrl.u32 v16, $0x10;
	[tilespmem:s9+$0xFFFFFFB0] =	vst v1;
	v1 =	vsub.f32 $1.000000000e+00, v3;
	v3 =	vmul.f32 v7, v23  }
0x1ad: {  	v61 =	vand.u32 $0xFFFF, v17;
	v6 =	vmul.f32 v6, v24;
	v7 =	vld.idx.msk [tilespmem:v55+s4+$0x0], $0xffff;
	[tilespmem:s9+$0xFFFFFFC0] =	vst v0;
	v2 =	vsub.f32 $1.000000000e+00, v2  }
0x1ae: {  	v62 =	vshrl.u32 v17, $0x10;
	v9 =	vmul.f32 v9, v54;
	[tilespmem:s9+$0xFFFFFF80] =	vst v1;
	v1 =	vsub.f32 $1.000000000e+00, v3;
	v0 =	vld.idx.msk [tilespmem:v57+s4+$0x0], $0xffff  }
0x1af: {  	v3 =	vld.idx.msk [tilespmem:v58+s4+$0x0], $0xffff;
	v4 =	vmul.f32 v4, v56;
	[tilespmem:s9+$0xFFFFFFD0] =	vst v2;
	v2 =	vsub.f32 $1.000000000e+00, v6  }
0x1b0: {  	[tilespmem:s9+$0xFFFFFFE0] =	vst v1;
	v6 =	vsub.f32 $1.000000000e+00, v9;
	v1 =	vld.idx.msk [tilespmem:v60+s4+$0x0], $0xffff  }
0x1b1: {  	v63 =	vsub.f32 $1.000000000e+00, v4;
	v5 =	vmul.f32 v5, v59;
	v4 =	vld.idx.msk [tilespmem:v8+s4+$0x0], $0xffff;
	[tilespmem:s9+$0xFFFFFFF0] =	vst v2  }
0x1b2: {  	[tilespmem:s9+$0x0] =	vst v6;
	v2 =	vld.idx.msk [tilespmem:v61+s4+$0x0], $0xffff  }
0x1b3: {  	s10 =	simm.s32 $0x0;
	s11 =	simm.s32 $0x11180;
	v7 =	vmul.f32 v13, v7;
	[tilespmem:s9+$0x10] =	vst v63;
	v6 =	vsub.f32 $1.000000000e+00, v5;
	v5 =	vld.idx.msk [tilespmem:v62+s4+$0x0], $0xffff  }
.LBB2_9:
0x1b4: {  	v8 =	vld [tilespmem:s11+$0x70]  }
0x1b5: {  	s10 =	sadd.s32 $0x10, s10;
	v0 =	vmul.f32 v3, v0;
	v9 =	vld [tilespmem:s11+$0xFFFFFF90];
	[tilespmem:s9+$0x20] =	vst v6;
	v6 =	vsub.f32 $1.000000000e+00, v7  }
0x1b6: {  	p1 =	slt.u32 s10, $0x1F0;
	v3 =	vld [tilespmem:s11+$0xFFFFFFA0]  }
0x1b7: {  	v0 =	vsub.f32 $1.000000000e+00, v0;
	v1 =	vmul.f32 v4, v1;
	v7 =	vld [tilespmem:s11+$0xFFFFFFB0];
	[tilespmem:s9+$0x30] =	vst v6  }
0x1b8: {  	v4 =	vld [tilespmem:s11+$0xFFFFFFC0]  }
0x1b9: {  	v6 =	vld [tilespmem:s11+$0xFFFFFFD0];
	v10 =	vand.u32 $0xFFFF, v8;
	[tilespmem:s9+$0x40] =	vst v0;
	v0 =	vsub.f32 $1.000000000e+00, v1;
	v1 =	vmul.f32 v5, v2  }
0x1ba: {  	v8 =	vshrl.u32 v8, $0x10;
	v2 =	vshrl.u32 v9, $0x10;
	v5 =	vand.u32 $0xFFFF, v9;
	v9 =	vld [tilespmem:s11+$0xFFFFFFE0]  }
0x1bb: {  	v11 =	vshrl.u32 v3, $0x10;
	v3 =	vand.u32 $0xFFFF, v3;
	v12 =	vld [tilespmem:s11+$0xFFFFFFF0];
	[tilespmem:s9+$0x50] =	vst v0;
	v0 =	vsub.f32 $1.000000000e+00, v1  }
0x1bc: {  	v1 =	vshrl.u32 v7, $0x10;
	v7 =	vand.u32 $0xFFFF, v7;
	v13 =	vld [tilespmem:s11+$0x0]  }
0x1bd: {  	v14 =	vshrl.u32 v4, $0x10;
	v4 =	vand.u32 $0xFFFF, v4;
	v15 =	vld [tilespmem:s11+$0x10];
	[tilespmem:s9+$0x60] =	vst v0  }
0x1be: {  	v0 =	vshrl.u32 v6, $0x10;
	v6 =	vand.u32 $0xFFFF, v6;
	v10 =	vld.idx.msk [tilespmem:v10+s4+$0x0], $0xffff  }
0x1bf: {  	v16 =	vshrl.u32 v9, $0x10;
	v9 =	vand.u32 $0xFFFF, v9;
	v8 =	vld.idx.msk [tilespmem:v8+s4+$0x0], $0xffff  }
0x1c0: {  	v17 =	vshrl.u32 v12, $0x10;
	v12 =	vand.u32 $0xFFFF, v12;
	v18 =	vld [tilespmem:s11+$0x20]  }
0x1c1: {  	v19 =	vshrl.u32 v13, $0x10;
	v13 =	vand.u32 $0xFFFF, v13;
	v20 =	vld [tilespmem:s11+$0x30]  }
0x1c2: {  	v21 =	vshrl.u32 v15, $0x10;
	v15 =	vand.u32 $0xFFFF, v15;
	v22 =	vld [tilespmem:s11+$0x40]  }
0x1c3: {  	v23 =	vld [tilespmem:s11+$0x50]  }
0x1c4: {  	v24 =	vld [tilespmem:s11+$0x60]  }
0x1c5: {  	v8 =	vmul.f32 v8, v10;
	v25 =	vld [tilespmem:s11+$0xFFFFFF80];
	v26 =	vshrl.u32 v18, $0x10;
	v18 =	vand.u32 $0xFFFF, v18  }
0x1c6: {  	v5 =	vld.idx.msk [tilespmem:v5+s4+$0x0], $0xffff;
	v10 =	vshrl.u32 v20, $0x10;
	v20 =	vand.u32 $0xFFFF, v20  }
0x1c7: {  	v8 =	vsub.f32 $1.000000000e+00, v8;
	v2 =	vld.idx.msk [tilespmem:v2+s4+$0x0], $0xffff;
	v27 =	vshrl.u32 v22, $0x10;
	v22 =	vand.u32 $0xFFFF, v22  }
0x1c8: {  	s9 =	sadd.s32 $0x100, s9;
	v3 =	vld.idx.msk [tilespmem:v3+s4+$0x0], $0xffff;
	v28 =	vshrl.u32 v23, $0x10;
	v23 =	vand.u32 $0xFFFF, v23  }
0x1c9: {  	v11 =	vld.idx.msk [tilespmem:v11+s4+$0x0], $0xffff;
	v29 =	vshrl.u32 v24, $0x10;
	v24 =	vand.u32 $0xFFFF, v24;
	[tilespmem:s9+$0x70] =	vst v8  }
0x1ca: {  	v8 =	vshrl.u32 v25, $0x10;
	v25 =	vand.u32 $0xFFFF, v25;
	v7 =	vld.idx.msk [tilespmem:v7+s4+$0x0], $0xffff  }
0x1cb: {  	v1 =	vld.idx.msk [tilespmem:v1+s4+$0x0], $0xffff  }
0x1cc: {  	v4 =	vld.idx.msk [tilespmem:v4+s4+$0x0], $0xffff  }
0x1cd: {  	v2 =	vmul.f32 v2, v5;
	v5 =	vld.idx.msk [tilespmem:v14+s4+$0x0], $0xffff  }
0x1ce: {  	v6 =	vld.idx.msk [tilespmem:v6+s4+$0x0], $0xffff  }
0x1cf: {  	v2 =	vsub.f32 $1.000000000e+00, v2;
	v3 =	vmul.f32 v11, v3;
	v14 =	vld.idx.msk [tilespmem:v25+s4+$0x0], $0xffff  }
0x1d0: {  	v8 =	vld.idx.msk [tilespmem:v8+s4+$0x0], $0xffff  }
0x1d1: {  	v1 =	vmul.f32 v1, v7;
	[tilespmem:s9+$0xFFFFFF90] =	vst v2;
	v2 =	vsub.f32 $1.000000000e+00, v3;
	v0 =	vld.idx.msk [tilespmem:v0+s4+$0x0], $0xffff  }
0x1d2: {  	v3 =	vld.idx.msk [tilespmem:v9+s4+$0x0], $0xffff  }
0x1d3: {  	v1 =	vsub.f32 $1.000000000e+00, v1;
	[tilespmem:s9+$0xFFFFFFA0] =	vst v2;
	v2 =	vmul.f32 v5, v4;
	v4 =	vld.idx.msk [tilespmem:v16+s4+$0x0], $0xffff  }
0x1d4: {  	v5 =	vld.idx.msk [tilespmem:v12+s4+$0x0], $0xffff  }
0x1d5: {  	[tilespmem:s9+$0xFFFFFFB0] =	vst v1;
	v1 =	vsub.f32 $1.000000000e+00, v2;
	v2 =	vld.idx.msk [tilespmem:v17+s4+$0x0], $0xffff  }
0x1d6: {  	v7 =	vmul.f32 v8, v14;
	v8 =	vld.idx.msk [tilespmem:v13+s4+$0x0], $0xffff  }
0x1d7: {  	v0 =	vmul.f32 v0, v6;
	[tilespmem:s9+$0xFFFFFFC0] =	vst v1;
	v1 =	vld.idx.msk [tilespmem:v19+s4+$0x0], $0xffff  }
0x1d8: {  	v6 =	vsub.f32 $1.000000000e+00, v7;
	v7 =	vld.idx.msk [tilespmem:v15+s4+$0x0], $0xffff  }
0x1d9: {  	v0 =	vsub.f32 $1.000000000e+00, v0;
	v3 =	vmul.f32 v4, v3;
	v4 =	vld.idx.msk [tilespmem:v21+s4+$0x0], $0xffff  }
0x1da: {  	[tilespmem:s9+$0xFFFFFF80] =	vst v6;
	v6 =	vld.idx.msk [tilespmem:v18+s4+$0x0], $0xffff  }
0x1db: {  	v2 =	vmul.f32 v2, v5;
	[tilespmem:s9+$0xFFFFFFD0] =	vst v0;
	v0 =	vsub.f32 $1.000000000e+00, v3;
	v5 =	vld.idx.msk [tilespmem:v26+s4+$0x0], $0xffff  }
0x1dc: {  	v9 =	vld.idx.msk [tilespmem:v20+s4+$0x0], $0xffff  }
0x1dd: {  	v2 =	vsub.f32 $1.000000000e+00, v2;
	v1 =	vmul.f32 v1, v8;
	[tilespmem:s9+$0xFFFFFFE0] =	vst v0;
	v8 =	vld.idx.msk [tilespmem:v10+s4+$0x0], $0xffff  }
0x1de: {  	v0 =	vld.idx.msk [tilespmem:v22+s4+$0x0], $0xffff  }
.Ltmp3:
0x1df: {  	v4 =	vmul.f32 v4, v7;
	[tilespmem:s9+$0xFFFFFFF0] =	vst v2;
	v2 =	vsub.f32 $1.000000000e+00, v1;
	v3 =	vld.idx.msk [tilespmem:v27+s4+$0x0], $0xffff;
	(pc) =	sbr.rel @p1 .LBB2_9-.Ltmp3, $4  }
0x1e0: {  	v1 =	vld.idx.msk [tilespmem:v23+s4+$0x0], $0xffff  }
0x1e1: {  	v7 =	vsub.f32 $1.000000000e+00, v4;
	v5 =	vmul.f32 v5, v6;
	[tilespmem:s9+$0x0] =	vst v2;
	v4 =	vld.idx.msk [tilespmem:v28+s4+$0x0], $0xffff  }
0x1e2: {  	v2 =	vld.idx.msk [tilespmem:v24+s4+$0x0], $0xffff  }
0x1e3: {  	s11 =	sadd.s32 $0x100, s11;
	v6 =	vsub.f32 $1.000000000e+00, v5;
	[tilespmem:s9+$0x10] =	vst v7;
	v7 =	vmul.f32 v8, v9;
	v5 =	vld.idx.msk [tilespmem:v29+s4+$0x0], $0xffff  }
0x1e4: {  	_ =	sdelay $0x1  }
0x1e5: {  	v0 =	vmul.f32 v3, v0  }
0x1e6: {  	v3 =	vsub.f32 $1.000000000e+00, v7;
	v1 =	vmul.f32 v4, v1  }
0x1e7: {  	[tilespmem:s9+$0x20] =	vst v6;
	v0 =	vsub.f32 $1.000000000e+00, v0;
	v2 =	vmul.f32 v5, v2  }
0x1e8: {  	[tilespmem:s9+$0x30] =	vst v3;
	v1 =	vsub.f32 $1.000000000e+00, v1  }
0x1e9: {  	[tilespmem:s9+$0x40] =	vst v0;
	v0 =	vsub.f32 $1.000000000e+00, v2  }
0x1ea: {  	[tilespmem:s9+$0x50] =	vst v1  }
0x1eb: {  	[tilespmem:s9+$0x60] =	vst v0  }
0x1ec: {  	[tilespmem:s24], [sflag:$0x2] =	stream.linear.gather [spmem:s14], $0x2000, $0x38;
	[tilespmem:$0x1D000] =	vst v63  }
0x1ed: {  	s10 =	sadd.s32 s8, s15  }
0x1ee: {  	[hbm4b:s10+s22] =	stream.strided.scatter [tilespmem:s30], [sflag:$0x5], $0x2000, s23, s22, $0x38;
	[tilespmem:$0x1D000] =	vst v63  }
0x1ef: {  	_ =	swait.ge [sflag:s31], $0x2000  }
0x1f0: {  	[sflag:s31] =	ssyncset.done $0x0  }
0x1f1: {  	[sflag:s31] =	ssyncadd.s32 $0xFFFFE000  }
0x1f2: {  	_ =	swait.ge [sflag:s1], $0x2000  }
0x1f3: {  	[sflag:s1] =	ssyncset.done $0x0  }
0x1f4: {  	s11 =	simm.s32 $0x13080;
	[sflag:s1] =	ssyncadd.s32 $0xFFFFE000  }
0x1f5: {  	v0 =	vld [tilespmem:s11+$0x70]  }
0x1f6: {  	v1 =	vld [tilespmem:s11+$0xFFFFFF90]  }
0x1f7: {  	v2 =	vld [tilespmem:s11+$0xFFFFFFA0]  }
0x1f8: {  	v3 =	vld [tilespmem:s11+$0xFFFFFFB0]  }
0x1f9: {  	v4 =	vld [tilespmem:s11+$0xFFFFFFC0]  }
0x1fa: {  	v5 =	vld [tilespmem:s11+$0xFFFFFFD0]  }
0x1fb: {  	v7 =	vld [tilespmem:s11+$0xFFFFFFE0]  }
0x1fc: {  	v8 =	vld [tilespmem:s11+$0xFFFFFFF0]  }
0x1fd: {  	v9 =	vld [tilespmem:s11+$0x0]  }
0x1fe: {  	v10 =	vld [tilespmem:s11+$0x10]  }
0x1ff: {  	v11 =	vld [tilespmem:s11+$0x20]  }
0x200: {  	v13 =	vld [tilespmem:s11+$0x30];
	v6 =	vand.u32 $0xFFFF, v0  }
0x201: {  	v14 =	vld [tilespmem:s11+$0x40];
	v0 =	vshrl.u32 v0, $0x10  }
0x202: {  	v16 =	vld [tilespmem:s11+$0x50];
	v12 =	vand.u32 $0xFFFF, v1  }
0x203: {  	v17 =	vld [tilespmem:s11+$0x60];
	v1 =	vshrl.u32 v1, $0x10  }
0x204: {  	v19 =	vld [tilespmem:s11+$0xFFFFFF80];
	v15 =	vand.u32 $0xFFFF, v2  }
0x205: {  	v2 =	vshrl.u32 v2, $0x10;
	v6 =	vld.idx.msk [tilespmem:v6+s4+$0x0], $0xffff  }
0x206: {  	v18 =	vand.u32 $0xFFFF, v3;
	v0 =	vld.idx.msk [tilespmem:v0+s4+$0x0], $0xffff  }
0x207: {  	v3 =	vshrl.u32 v3, $0x10;
	v12 =	vld.idx.msk [tilespmem:v12+s4+$0x0], $0xffff  }
0x208: {  	v20 =	vand.u32 $0xFFFF, v4;
	v1 =	vld.idx.msk [tilespmem:v1+s4+$0x0], $0xffff  }
0x209: {  	v4 =	vshrl.u32 v4, $0x10;
	v15 =	vld.idx.msk [tilespmem:v15+s4+$0x0], $0xffff  }
0x20a: {  	v21 =	vand.u32 $0xFFFF, v5;
	v2 =	vld.idx.msk [tilespmem:v2+s4+$0x0], $0xffff  }
0x20b: {  	v22 =	vand.u32 $0xFFFF, v19;
	v18 =	vld.idx.msk [tilespmem:v18+s4+$0x0], $0xffff  }
0x20c: {  	v19 =	vshrl.u32 v19, $0x10;
	v3 =	vld.idx.msk [tilespmem:v3+s4+$0x0], $0xffff  }
0x20d: {  	v5 =	vshrl.u32 v5, $0x10;
	v20 =	vld.idx.msk [tilespmem:v20+s4+$0x0], $0xffff  }
0x20e: {  	v23 =	vand.u32 $0xFFFF, v7;
	v4 =	vld.idx.msk [tilespmem:v4+s4+$0x0], $0xffff  }
0x20f: {  	v7 =	vshrl.u32 v7, $0x10;
	v21 =	vld.idx.msk [tilespmem:v21+s4+$0x0], $0xffff  }
0x210: {  	v24 =	vand.u32 $0xFFFF, v8;
	v22 =	vld.idx.msk [tilespmem:v22+s4+$0x0], $0xffff  }
0x211: {  	v25 =	vand.u32 $0xFFFF, v9;
	v19 =	vld.idx.msk [tilespmem:v19+s4+$0x0], $0xffff  }
0x212: {  	v9 =	vshrl.u32 v9, $0x10;
	v5 =	vld.idx.msk [tilespmem:v5+s4+$0x0], $0xffff  }
0x213: {  	v8 =	vshrl.u32 v8, $0x10;
	v23 =	vld.idx.msk [tilespmem:v23+s4+$0x0], $0xffff  }
0x214: {  	v26 =	vand.u32 $0xFFFF, v10;
	v7 =	vld.idx.msk [tilespmem:v7+s4+$0x0], $0xffff  }
0x215: {  	v27 =	vand.u32 $0xFFFF, v11;
	v24 =	vld.idx.msk [tilespmem:v24+s4+$0x0], $0xffff  }
0x216: {  	v10 =	vshrl.u32 v10, $0x10;
	v54 =	vld.idx.msk [tilespmem:v25+s4+$0x0], $0xffff;
	v0 =	vmul.f32 v0, v6  }
0x217: {  	v55 =	vand.u32 $0xFFFF, v13;
	v13 =	vshrl.u32 v13, $0x10;
	v9 =	vld.idx.msk [tilespmem:v9+s4+$0x0], $0xffff;
	v1 =	vmul.f32 v1, v12  }
0x218: {  	v6 =	vld.idx.msk [tilespmem:v8+s4+$0x0], $0xffff;
	v8 =	vshrl.u32 v11, $0x10;
	v2 =	vmul.f32 v2, v15;
	v0 =	vsub.f32 $1.000000000e+00, v0  }
0x219: {  	s9 =	simm.s32 $0x19080;
	v56 =	vld.idx.msk [tilespmem:v26+s4+$0x0], $0xffff;
	v3 =	vmul.f32 v3, v18;
	v1 =	vsub.f32 $1.000000000e+00, v1  }
0x21a: {  	v57 =	vand.u32 $0xFFFF, v14;
	v59 =	vld.idx.msk [tilespmem:v27+s4+$0x0], $0xffff;
	[tilespmem:s9+$0x70] =	vst v0;
	v0 =	vsub.f32 $1.000000000e+00, v2;
	v2 =	vmul.f32 v4, v20  }
0x21b: {  	v58 =	vshrl.u32 v14, $0x10;
	v4 =	vld.idx.msk [tilespmem:v10+s4+$0x0], $0xffff;
	[tilespmem:s9+$0xFFFFFF90] =	vst v1;
	v1 =	vsub.f32 $1.000000000e+00, v3;
	v3 =	vmul.f32 v19, v22  }
0x21c: {  	v60 =	vand.u32 $0xFFFF, v16;
	v13 =	vld.idx.msk [tilespmem:v13+s4+$0x0], $0xffff;
	[tilespmem:s9+$0xFFFFFFA0] =	vst v0;
	v0 =	vsub.f32 $1.000000000e+00, v2;
	v2 =	vmul.f32 v5, v21  }
0x21d: {  	v5 =	vld.idx.msk [tilespmem:v8+s4+$0x0], $0xffff;
	v8 =	vshrl.u32 v16, $0x10;
	[tilespmem:s9+$0xFFFFFFB0] =	vst v1;
	v1 =	vsub.f32 $1.000000000e+00, v3;
	v3 =	vmul.f32 v7, v23  }
0x21e: {  	v61 =	vand.u32 $0xFFFF, v17;
	v6 =	vmul.f32 v6, v24;
	v7 =	vld.idx.msk [tilespmem:v55+s4+$0x0], $0xffff;
	[tilespmem:s9+$0xFFFFFFC0] =	vst v0;
	v2 =	vsub.f32 $1.000000000e+00, v2  }
0x21f: {  	v62 =	vshrl.u32 v17, $0x10;
	v9 =	vmul.f32 v9, v54;
	[tilespmem:s9+$0xFFFFFF80] =	vst v1;
	v1 =	vsub.f32 $1.000000000e+00, v3;
	v0 =	vld.idx.msk [tilespmem:v57+s4+$0x0], $0xffff  }
0x220: {  	v3 =	vld.idx.msk [tilespmem:v58+s4+$0x0], $0xffff;
	v4 =	vmul.f32 v4, v56;
	[tilespmem:s9+$0xFFFFFFD0] =	vst v2;
	v2 =	vsub.f32 $1.000000000e+00, v6  }
0x221: {  	[tilespmem:s9+$0xFFFFFFE0] =	vst v1;
	v6 =	vsub.f32 $1.000000000e+00, v9;
	v1 =	vld.idx.msk [tilespmem:v60+s4+$0x0], $0xffff  }
0x222: {  	v63 =	vsub.f32 $1.000000000e+00, v4;
	v5 =	vmul.f32 v5, v59;
	v4 =	vld.idx.msk [tilespmem:v8+s4+$0x0], $0xffff;
	[tilespmem:s9+$0xFFFFFFF0] =	vst v2  }
0x223: {  	[tilespmem:s9+$0x0] =	vst v6;
	v2 =	vld.idx.msk [tilespmem:v61+s4+$0x0], $0xffff  }
0x224: {  	s10 =	simm.s32 $0x0;
	s11 =	simm.s32 $0x13180;
	v7 =	vmul.f32 v13, v7;
	[tilespmem:s9+$0x10] =	vst v63;
	v6 =	vsub.f32 $1.000000000e+00, v5;
	v5 =	vld.idx.msk [tilespmem:v62+s4+$0x0], $0xffff  }
.LBB2_11:
0x225: {  	v8 =	vld [tilespmem:s11+$0x70]  }
0x226: {  	s10 =	sadd.s32 $0x10, s10;
	v0 =	vmul.f32 v3, v0;
	v9 =	vld [tilespmem:s11+$0xFFFFFF90];
	[tilespmem:s9+$0x20] =	vst v6;
	v6 =	vsub.f32 $1.000000000e+00, v7  }
0x227: {  	p1 =	slt.u32 s10, $0x1F0;
	v3 =	vld [tilespmem:s11+$0xFFFFFFA0]  }
0x228: {  	v0 =	vsub.f32 $1.000000000e+00, v0;
	v1 =	vmul.f32 v4, v1;
	v7 =	vld [tilespmem:s11+$0xFFFFFFB0];
	[tilespmem:s9+$0x30] =	vst v6  }
0x229: {  	v4 =	vld [tilespmem:s11+$0xFFFFFFC0]  }
0x22a: {  	v6 =	vld [tilespmem:s11+$0xFFFFFFD0];
	v10 =	vand.u32 $0xFFFF, v8;
	[tilespmem:s9+$0x40] =	vst v0;
	v0 =	vsub.f32 $1.000000000e+00, v1;
	v1 =	vmul.f32 v5, v2  }
0x22b: {  	v8 =	vshrl.u32 v8, $0x10;
	v2 =	vshrl.u32 v9, $0x10;
	v5 =	vand.u32 $0xFFFF, v9;
	v9 =	vld [tilespmem:s11+$0xFFFFFFE0]  }
0x22c: {  	v11 =	vshrl.u32 v3, $0x10;
	v3 =	vand.u32 $0xFFFF, v3;
	v12 =	vld [tilespmem:s11+$0xFFFFFFF0];
	[tilespmem:s9+$0x50] =	vst v0;
	v0 =	vsub.f32 $1.000000000e+00, v1  }
0x22d: {  	v1 =	vshrl.u32 v7, $0x10;
	v7 =	vand.u32 $0xFFFF, v7;
	v13 =	vld [tilespmem:s11+$0x0]  }
0x22e: {  	v14 =	vshrl.u32 v4, $0x10;
	v4 =	vand.u32 $0xFFFF, v4;
	v15 =	vld [tilespmem:s11+$0x10];
	[tilespmem:s9+$0x60] =	vst v0  }
0x22f: {  	v0 =	vshrl.u32 v6, $0x10;
	v6 =	vand.u32 $0xFFFF, v6;
	v10 =	vld.idx.msk [tilespmem:v10+s4+$0x0], $0xffff  }
0x230: {  	v16 =	vshrl.u32 v9, $0x10;
	v9 =	vand.u32 $0xFFFF, v9;
	v8 =	vld.idx.msk [tilespmem:v8+s4+$0x0], $0xffff  }
0x231: {  	v17 =	vshrl.u32 v12, $0x10;
	v12 =	vand.u32 $0xFFFF, v12;
	v18 =	vld [tilespmem:s11+$0x20]  }
0x232: {  	v19 =	vshrl.u32 v13, $0x10;
	v13 =	vand.u32 $0xFFFF, v13;
	v20 =	vld [tilespmem:s11+$0x30]  }
0x233: {  	v21 =	vshrl.u32 v15, $0x10;
	v15 =	vand.u32 $0xFFFF, v15;
	v22 =	vld [tilespmem:s11+$0x40]  }
0x234: {  	v23 =	vld [tilespmem:s11+$0x50]  }
0x235: {  	v24 =	vld [tilespmem:s11+$0x60]  }
0x236: {  	v8 =	vmul.f32 v8, v10;
	v25 =	vld [tilespmem:s11+$0xFFFFFF80];
	v26 =	vshrl.u32 v18, $0x10;
	v18 =	vand.u32 $0xFFFF, v18  }
0x237: {  	v5 =	vld.idx.msk [tilespmem:v5+s4+$0x0], $0xffff;
	v10 =	vshrl.u32 v20, $0x10;
	v20 =	vand.u32 $0xFFFF, v20  }
0x238: {  	v8 =	vsub.f32 $1.000000000e+00, v8;
	v2 =	vld.idx.msk [tilespmem:v2+s4+$0x0], $0xffff;
	v27 =	vshrl.u32 v22, $0x10;
	v22 =	vand.u32 $0xFFFF, v22  }
0x239: {  	s9 =	sadd.s32 $0x100, s9;
	v3 =	vld.idx.msk [tilespmem:v3+s4+$0x0], $0xffff;
	v28 =	vshrl.u32 v23, $0x10;
	v23 =	vand.u32 $0xFFFF, v23  }
0x23a: {  	v11 =	vld.idx.msk [tilespmem:v11+s4+$0x0], $0xffff;
	v29 =	vshrl.u32 v24, $0x10;
	v24 =	vand.u32 $0xFFFF, v24;
	[tilespmem:s9+$0x70] =	vst v8  }
0x23b: {  	v8 =	vshrl.u32 v25, $0x10;
	v25 =	vand.u32 $0xFFFF, v25;
	v7 =	vld.idx.msk [tilespmem:v7+s4+$0x0], $0xffff  }
0x23c: {  	v1 =	vld.idx.msk [tilespmem:v1+s4+$0x0], $0xffff  }
0x23d: {  	v4 =	vld.idx.msk [tilespmem:v4+s4+$0x0], $0xffff  }
0x23e: {  	v2 =	vmul.f32 v2, v5;
	v5 =	vld.idx.msk [tilespmem:v14+s4+$0x0], $0xffff  }
0x23f: {  	v6 =	vld.idx.msk [tilespmem:v6+s4+$0x0], $0xffff  }
0x240: {  	v2 =	vsub.f32 $1.000000000e+00, v2;
	v3 =	vmul.f32 v11, v3;
	v14 =	vld.idx.msk [tilespmem:v25+s4+$0x0], $0xffff  }
0x241: {  	v8 =	vld.idx.msk [tilespmem:v8+s4+$0x0], $0xffff  }
0x242: {  	v1 =	vmul.f32 v1, v7;
	[tilespmem:s9+$0xFFFFFF90] =	vst v2;
	v2 =	vsub.f32 $1.000000000e+00, v3;
	v0 =	vld.idx.msk [tilespmem:v0+s4+$0x0], $0xffff  }
0x243: {  	v3 =	vld.idx.msk [tilespmem:v9+s4+$0x0], $0xffff  }
0x244: {  	v1 =	vsub.f32 $1.000000000e+00, v1;
	[tilespmem:s9+$0xFFFFFFA0] =	vst v2;
	v2 =	vmul.f32 v5, v4;
	v4 =	vld.idx.msk [tilespmem:v16+s4+$0x0], $0xffff  }
0x245: {  	v5 =	vld.idx.msk [tilespmem:v12+s4+$0x0], $0xffff  }
0x246: {  	[tilespmem:s9+$0xFFFFFFB0] =	vst v1;
	v1 =	vsub.f32 $1.000000000e+00, v2;
	v2 =	vld.idx.msk [tilespmem:v17+s4+$0x0], $0xffff  }
0x247: {  	v7 =	vmul.f32 v8, v14;
	v8 =	vld.idx.msk [tilespmem:v13+s4+$0x0], $0xffff  }
0x248: {  	v0 =	vmul.f32 v0, v6;
	[tilespmem:s9+$0xFFFFFFC0] =	vst v1;
	v1 =	vld.idx.msk [tilespmem:v19+s4+$0x0], $0xffff  }
0x249: {  	v6 =	vsub.f32 $1.000000000e+00, v7;
	v7 =	vld.idx.msk [tilespmem:v15+s4+$0x0], $0xffff  }
0x24a: {  	v0 =	vsub.f32 $1.000000000e+00, v0;
	v3 =	vmul.f32 v4, v3;
	v4 =	vld.idx.msk [tilespmem:v21+s4+$0x0], $0xffff  }
0x24b: {  	[tilespmem:s9+$0xFFFFFF80] =	vst v6;
	v6 =	vld.idx.msk [tilespmem:v18+s4+$0x0], $0xffff  }
0x24c: {  	v2 =	vmul.f32 v2, v5;
	[tilespmem:s9+$0xFFFFFFD0] =	vst v0;
	v0 =	vsub.f32 $1.000000000e+00, v3;
	v5 =	vld.idx.msk [tilespmem:v26+s4+$0x0], $0xffff  }
0x24d: {  	v9 =	vld.idx.msk [tilespmem:v20+s4+$0x0], $0xffff  }
0x24e: {  	v2 =	vsub.f32 $1.000000000e+00, v2;
	v1 =	vmul.f32 v1, v8;
	[tilespmem:s9+$0xFFFFFFE0] =	vst v0;
	v8 =	vld.idx.msk [tilespmem:v10+s4+$0x0], $0xffff  }
0x24f: {  	v0 =	vld.idx.msk [tilespmem:v22+s4+$0x0], $0xffff  }
.Ltmp4:
0x250: {  	v4 =	vmul.f32 v4, v7;
	[tilespmem:s9+$0xFFFFFFF0] =	vst v2;
	v2 =	vsub.f32 $1.000000000e+00, v1;
	v3 =	vld.idx.msk [tilespmem:v27+s4+$0x0], $0xffff;
	(pc) =	sbr.rel @p1 .LBB2_11-.Ltmp4, $4  }
0x251: {  	v1 =	vld.idx.msk [tilespmem:v23+s4+$0x0], $0xffff  }
0x252: {  	v7 =	vsub.f32 $1.000000000e+00, v4;
	v5 =	vmul.f32 v5, v6;
	[tilespmem:s9+$0x0] =	vst v2;
	v4 =	vld.idx.msk [tilespmem:v28+s4+$0x0], $0xffff  }
0x253: {  	v2 =	vld.idx.msk [tilespmem:v24+s4+$0x0], $0xffff  }
0x254: {  	s11 =	sadd.s32 $0x100, s11;
	v6 =	vsub.f32 $1.000000000e+00, v5;
	[tilespmem:s9+$0x10] =	vst v7;
	v7 =	vmul.f32 v8, v9;
	v5 =	vld.idx.msk [tilespmem:v29+s4+$0x0], $0xffff  }
0x255: {  	_ =	sdelay $0x1  }
0x256: {  	v0 =	vmul.f32 v3, v0  }
0x257: {  	v3 =	vsub.f32 $1.000000000e+00, v7;
	v1 =	vmul.f32 v4, v1  }
0x258: {  	[tilespmem:s9+$0x20] =	vst v6;
	v0 =	vsub.f32 $1.000000000e+00, v0;
	v2 =	vmul.f32 v5, v2  }
0x259: {  	[tilespmem:s9+$0x30] =	vst v3;
	v1 =	vsub.f32 $1.000000000e+00, v1  }
0x25a: {  	[tilespmem:s9+$0x40] =	vst v0;
	v0 =	vsub.f32 $1.000000000e+00, v2  }
0x25b: {  	[tilespmem:s9+$0x50] =	vst v1  }
0x25c: {  	[tilespmem:s9+$0x60] =	vst v0  }
0x25d: {  	[tilespmem:s25], [sflag:$0x3] =	stream.linear.gather [spmem:s16], $0x2000, $0x38;
	[tilespmem:$0x1D000] =	vst v63  }
0x25e: {  	s10 =	sadd.s32 s8, s17  }
0x25f: {  	[hbm4b:s10+s22] =	stream.strided.scatter [tilespmem:s0], [sflag:$0x6], $0x2000, s23, s22, $0x38;
	[tilespmem:$0x1D000] =	vst v63  }
0x260: {  	_ =	swait.ge [sflag:s5], $0x2000  }
0x261: {  	[sflag:s5] =	ssyncset.done $0x0  }
0x262: {  	[sflag:s5] =	ssyncadd.s32 $0xFFFFE000  }
0x263: {  	_ =	swait.ge [sflag:s3], $0x2000  }
0x264: {  	[sflag:s3] =	ssyncset.done $0x0  }
0x265: {  	s11 =	simm.s32 $0x15080;
	[sflag:s3] =	ssyncadd.s32 $0xFFFFE000  }
0x266: {  	v0 =	vld [tilespmem:s11+$0x70]  }
0x267: {  	v1 =	vld [tilespmem:s11+$0xFFFFFF90]  }
0x268: {  	v2 =	vld [tilespmem:s11+$0xFFFFFFA0]  }
0x269: {  	v3 =	vld [tilespmem:s11+$0xFFFFFFB0]  }
0x26a: {  	v4 =	vld [tilespmem:s11+$0xFFFFFFC0]  }
0x26b: {  	v5 =	vld [tilespmem:s11+$0xFFFFFFD0]  }
0x26c: {  	v7 =	vld [tilespmem:s11+$0xFFFFFFE0]  }
0x26d: {  	v8 =	vld [tilespmem:s11+$0xFFFFFFF0]  }
0x26e: {  	v9 =	vld [tilespmem:s11+$0x0]  }
0x26f: {  	v10 =	vld [tilespmem:s11+$0x10]  }
0x270: {  	v11 =	vld [tilespmem:s11+$0x20]  }
0x271: {  	v13 =	vld [tilespmem:s11+$0x30];
	v6 =	vand.u32 $0xFFFF, v0  }
0x272: {  	v14 =	vld [tilespmem:s11+$0x40];
	v0 =	vshrl.u32 v0, $0x10  }
0x273: {  	v16 =	vld [tilespmem:s11+$0x50];
	v12 =	vand.u32 $0xFFFF, v1  }
0x274: {  	v17 =	vld [tilespmem:s11+$0x60];
	v1 =	vshrl.u32 v1, $0x10  }
0x275: {  	v19 =	vld [tilespmem:s11+$0xFFFFFF80];
	v15 =	vand.u32 $0xFFFF, v2  }
0x276: {  	v2 =	vshrl.u32 v2, $0x10;
	v6 =	vld.idx.msk [tilespmem:v6+s4+$0x0], $0xffff  }
0x277: {  	v18 =	vand.u32 $0xFFFF, v3;
	v0 =	vld.idx.msk [tilespmem:v0+s4+$0x0], $0xffff  }
0x278: {  	v3 =	vshrl.u32 v3, $0x10;
	v12 =	vld.idx.msk [tilespmem:v12+s4+$0x0], $0xffff  }
0x279: {  	v20 =	vand.u32 $0xFFFF, v4;
	v1 =	vld.idx.msk [tilespmem:v1+s4+$0x0], $0xffff  }
0x27a: {  	v4 =	vshrl.u32 v4, $0x10;
	v15 =	vld.idx.msk [tilespmem:v15+s4+$0x0], $0xffff  }
0x27b: {  	v21 =	vand.u32 $0xFFFF, v5;
	v2 =	vld.idx.msk [tilespmem:v2+s4+$0x0], $0xffff  }
0x27c: {  	v22 =	vand.u32 $0xFFFF, v19;
	v18 =	vld.idx.msk [tilespmem:v18+s4+$0x0], $0xffff  }
0x27d: {  	v19 =	vshrl.u32 v19, $0x10;
	v3 =	vld.idx.msk [tilespmem:v3+s4+$0x0], $0xffff  }
0x27e: {  	v5 =	vshrl.u32 v5, $0x10;
	v20 =	vld.idx.msk [tilespmem:v20+s4+$0x0], $0xffff  }
0x27f: {  	v23 =	vand.u32 $0xFFFF, v7;
	v4 =	vld.idx.msk [tilespmem:v4+s4+$0x0], $0xffff  }
0x280: {  	v7 =	vshrl.u32 v7, $0x10;
	v21 =	vld.idx.msk [tilespmem:v21+s4+$0x0], $0xffff  }
0x281: {  	v24 =	vand.u32 $0xFFFF, v8;
	v22 =	vld.idx.msk [tilespmem:v22+s4+$0x0], $0xffff  }
0x282: {  	v25 =	vand.u32 $0xFFFF, v9;
	v19 =	vld.idx.msk [tilespmem:v19+s4+$0x0], $0xffff  }
0x283: {  	v9 =	vshrl.u32 v9, $0x10;
	v5 =	vld.idx.msk [tilespmem:v5+s4+$0x0], $0xffff  }
0x284: {  	v8 =	vshrl.u32 v8, $0x10;
	v23 =	vld.idx.msk [tilespmem:v23+s4+$0x0], $0xffff  }
0x285: {  	v26 =	vand.u32 $0xFFFF, v10;
	v7 =	vld.idx.msk [tilespmem:v7+s4+$0x0], $0xffff  }
0x286: {  	v27 =	vand.u32 $0xFFFF, v11;
	v24 =	vld.idx.msk [tilespmem:v24+s4+$0x0], $0xffff  }
0x287: {  	v10 =	vshrl.u32 v10, $0x10;
	v54 =	vld.idx.msk [tilespmem:v25+s4+$0x0], $0xffff;
	v0 =	vmul.f32 v0, v6  }
0x288: {  	v55 =	vand.u32 $0xFFFF, v13;
	v13 =	vshrl.u32 v13, $0x10;
	v9 =	vld.idx.msk [tilespmem:v9+s4+$0x0], $0xffff;
	v1 =	vmul.f32 v1, v12  }
0x289: {  	v6 =	vld.idx.msk [tilespmem:v8+s4+$0x0], $0xffff;
	v8 =	vshrl.u32 v11, $0x10;
	v2 =	vmul.f32 v2, v15;
	v0 =	vsub.f32 $1.000000000e+00, v0  }
0x28a: {  	s9 =	simm.s32 $0x1B080;
	v56 =	vld.idx.msk [tilespmem:v26+s4+$0x0], $0xffff;
	v3 =	vmul.f32 v3, v18;
	v1 =	vsub.f32 $1.000000000e+00, v1  }
0x28b: {  	v57 =	vand.u32 $0xFFFF, v14;
	v59 =	vld.idx.msk [tilespmem:v27+s4+$0x0], $0xffff;
	[tilespmem:s9+$0x70] =	vst v0;
	v0 =	vsub.f32 $1.000000000e+00, v2;
	v2 =	vmul.f32 v4, v20  }
0x28c: {  	v58 =	vshrl.u32 v14, $0x10;
	v4 =	vld.idx.msk [tilespmem:v10+s4+$0x0], $0xffff;
	[tilespmem:s9+$0xFFFFFF90] =	vst v1;
	v1 =	vsub.f32 $1.000000000e+00, v3;
	v3 =	vmul.f32 v19, v22  }
0x28d: {  	v60 =	vand.u32 $0xFFFF, v16;
	v13 =	vld.idx.msk [tilespmem:v13+s4+$0x0], $0xffff;
	[tilespmem:s9+$0xFFFFFFA0] =	vst v0;
	v0 =	vsub.f32 $1.000000000e+00, v2;
	v2 =	vmul.f32 v5, v21  }
0x28e: {  	v5 =	vld.idx.msk [tilespmem:v8+s4+$0x0], $0xffff;
	v8 =	vshrl.u32 v16, $0x10;
	[tilespmem:s9+$0xFFFFFFB0] =	vst v1;
	v1 =	vsub.f32 $1.000000000e+00, v3;
	v3 =	vmul.f32 v7, v23  }
0x28f: {  	v61 =	vand.u32 $0xFFFF, v17;
	v6 =	vmul.f32 v6, v24;
	v7 =	vld.idx.msk [tilespmem:v55+s4+$0x0], $0xffff;
	[tilespmem:s9+$0xFFFFFFC0] =	vst v0;
	v2 =	vsub.f32 $1.000000000e+00, v2  }
0x290: {  	v62 =	vshrl.u32 v17, $0x10;
	v9 =	vmul.f32 v9, v54;
	[tilespmem:s9+$0xFFFFFF80] =	vst v1;
	v1 =	vsub.f32 $1.000000000e+00, v3;
	v0 =	vld.idx.msk [tilespmem:v57+s4+$0x0], $0xffff  }
0x291: {  	v3 =	vld.idx.msk [tilespmem:v58+s4+$0x0], $0xffff;
	v4 =	vmul.f32 v4, v56;
	[tilespmem:s9+$0xFFFFFFD0] =	vst v2;
	v2 =	vsub.f32 $1.000000000e+00, v6  }
0x292: {  	[tilespmem:s9+$0xFFFFFFE0] =	vst v1;
	v6 =	vsub.f32 $1.000000000e+00, v9;
	v1 =	vld.idx.msk [tilespmem:v60+s4+$0x0], $0xffff  }
0x293: {  	v63 =	vsub.f32 $1.000000000e+00, v4;
	v5 =	vmul.f32 v5, v59;
	v4 =	vld.idx.msk [tilespmem:v8+s4+$0x0], $0xffff;
	[tilespmem:s9+$0xFFFFFFF0] =	vst v2  }
0x294: {  	[tilespmem:s9+$0x0] =	vst v6;
	v2 =	vld.idx.msk [tilespmem:v61+s4+$0x0], $0xffff  }
0x295: {  	s10 =	simm.s32 $0x0;
	s11 =	simm.s32 $0x15180;
	v7 =	vmul.f32 v13, v7;
	[tilespmem:s9+$0x10] =	vst v63;
	v6 =	vsub.f32 $1.000000000e+00, v5;
	v5 =	vld.idx.msk [tilespmem:v62+s4+$0x0], $0xffff  }
.LBB2_13:
0x296: {  	v8 =	vld [tilespmem:s11+$0x70]  }
0x297: {  	s10 =	sadd.s32 $0x10, s10;
	v0 =	vmul.f32 v3, v0;
	v9 =	vld [tilespmem:s11+$0xFFFFFF90];
	[tilespmem:s9+$0x20] =	vst v6;
	v6 =	vsub.f32 $1.000000000e+00, v7  }
0x298: {  	p1 =	slt.u32 s10, $0x1F0;
	v3 =	vld [tilespmem:s11+$0xFFFFFFA0]  }
0x299: {  	v0 =	vsub.f32 $1.000000000e+00, v0;
	v1 =	vmul.f32 v4, v1;
	v7 =	vld [tilespmem:s11+$0xFFFFFFB0];
	[tilespmem:s9+$0x30] =	vst v6  }
0x29a: {  	v4 =	vld [tilespmem:s11+$0xFFFFFFC0]  }
0x29b: {  	v6 =	vld [tilespmem:s11+$0xFFFFFFD0];
	v10 =	vand.u32 $0xFFFF, v8;
	[tilespmem:s9+$0x40] =	vst v0;
	v0 =	vsub.f32 $1.000000000e+00, v1;
	v1 =	vmul.f32 v5, v2  }
0x29c: {  	v8 =	vshrl.u32 v8, $0x10;
	v2 =	vshrl.u32 v9, $0x10;
	v5 =	vand.u32 $0xFFFF, v9;
	v9 =	vld [tilespmem:s11+$0xFFFFFFE0]  }
0x29d: {  	v11 =	vshrl.u32 v3, $0x10;
	v3 =	vand.u32 $0xFFFF, v3;
	v12 =	vld [tilespmem:s11+$0xFFFFFFF0];
	[tilespmem:s9+$0x50] =	vst v0;
	v0 =	vsub.f32 $1.000000000e+00, v1  }
0x29e: {  	v1 =	vshrl.u32 v7, $0x10;
	v7 =	vand.u32 $0xFFFF, v7;
	v13 =	vld [tilespmem:s11+$0x0]  }
0x29f: {  	v14 =	vshrl.u32 v4, $0x10;
	v4 =	vand.u32 $0xFFFF, v4;
	v15 =	vld [tilespmem:s11+$0x10];
	[tilespmem:s9+$0x60] =	vst v0  }
0x2a0: {  	v0 =	vshrl.u32 v6, $0x10;
	v6 =	vand.u32 $0xFFFF, v6;
	v10 =	vld.idx.msk [tilespmem:v10+s4+$0x0], $0xffff  }
0x2a1: {  	v16 =	vshrl.u32 v9, $0x10;
	v9 =	vand.u32 $0xFFFF, v9;
	v8 =	vld.idx.msk [tilespmem:v8+s4+$0x0], $0xffff  }
0x2a2: {  	v17 =	vshrl.u32 v12, $0x10;
	v12 =	vand.u32 $0xFFFF, v12;
	v18 =	vld [tilespmem:s11+$0x20]  }
0x2a3: {  	v19 =	vshrl.u32 v13, $0x10;
	v13 =	vand.u32 $0xFFFF, v13;
	v20 =	vld [tilespmem:s11+$0x30]  }
0x2a4: {  	v21 =	vshrl.u32 v15, $0x10;
	v15 =	vand.u32 $0xFFFF, v15;
	v22 =	vld [tilespmem:s11+$0x40]  }
0x2a5: {  	v23 =	vld [tilespmem:s11+$0x50]  }
0x2a6: {  	v24 =	vld [tilespmem:s11+$0x60]  }
0x2a7: {  	v8 =	vmul.f32 v8, v10;
	v25 =	vld [tilespmem:s11+$0xFFFFFF80];
	v26 =	vshrl.u32 v18, $0x10;
	v18 =	vand.u32 $0xFFFF, v18  }
0x2a8: {  	v5 =	vld.idx.msk [tilespmem:v5+s4+$0x0], $0xffff;
	v10 =	vshrl.u32 v20, $0x10;
	v20 =	vand.u32 $0xFFFF, v20  }
0x2a9: {  	v8 =	vsub.f32 $1.000000000e+00, v8;
	v2 =	vld.idx.msk [tilespmem:v2+s4+$0x0], $0xffff;
	v27 =	vshrl.u32 v22, $0x10;
	v22 =	vand.u32 $0xFFFF, v22  }
0x2aa: {  	s9 =	sadd.s32 $0x100, s9;
	v3 =	vld.idx.msk [tilespmem:v3+s4+$0x0], $0xffff;
	v28 =	vshrl.u32 v23, $0x10;
	v23 =	vand.u32 $0xFFFF, v23  }
0x2ab: {  	v11 =	vld.idx.msk [tilespmem:v11+s4+$0x0], $0xffff;
	v29 =	vshrl.u32 v24, $0x10;
	v24 =	vand.u32 $0xFFFF, v24;
	[tilespmem:s9+$0x70] =	vst v8  }
0x2ac: {  	v8 =	vshrl.u32 v25, $0x10;
	v25 =	vand.u32 $0xFFFF, v25;
	v7 =	vld.idx.msk [tilespmem:v7+s4+$0x0], $0xffff  }
0x2ad: {  	v1 =	vld.idx.msk [tilespmem:v1+s4+$0x0], $0xffff  }
0x2ae: {  	v4 =	vld.idx.msk [tilespmem:v4+s4+$0x0], $0xffff  }
0x2af: {  	v2 =	vmul.f32 v2, v5;
	v5 =	vld.idx.msk [tilespmem:v14+s4+$0x0], $0xffff  }
0x2b0: {  	v6 =	vld.idx.msk [tilespmem:v6+s4+$0x0], $0xffff  }
0x2b1: {  	v2 =	vsub.f32 $1.000000000e+00, v2;
	v3 =	vmul.f32 v11, v3;
	v14 =	vld.idx.msk [tilespmem:v25+s4+$0x0], $0xffff  }
0x2b2: {  	v8 =	vld.idx.msk [tilespmem:v8+s4+$0x0], $0xffff  }
0x2b3: {  	v1 =	vmul.f32 v1, v7;
	[tilespmem:s9+$0xFFFFFF90] =	vst v2;
	v2 =	vsub.f32 $1.000000000e+00, v3;
	v0 =	vld.idx.msk [tilespmem:v0+s4+$0x0], $0xffff  }
0x2b4: {  	v3 =	vld.idx.msk [tilespmem:v9+s4+$0x0], $0xffff  }
0x2b5: {  	v1 =	vsub.f32 $1.000000000e+00, v1;
	[tilespmem:s9+$0xFFFFFFA0] =	vst v2;
	v2 =	vmul.f32 v5, v4;
	v4 =	vld.idx.msk [tilespmem:v16+s4+$0x0], $0xffff  }
0x2b6: {  	v5 =	vld.idx.msk [tilespmem:v12+s4+$0x0], $0xffff  }
0x2b7: {  	[tilespmem:s9+$0xFFFFFFB0] =	vst v1;
	v1 =	vsub.f32 $1.000000000e+00, v2;
	v2 =	vld.idx.msk [tilespmem:v17+s4+$0x0], $0xffff  }
0x2b8: {  	v7 =	vmul.f32 v8, v14;
	v8 =	vld.idx.msk [tilespmem:v13+s4+$0x0], $0xffff  }
0x2b9: {  	v0 =	vmul.f32 v0, v6;
	[tilespmem:s9+$0xFFFFFFC0] =	vst v1;
	v1 =	vld.idx.msk [tilespmem:v19+s4+$0x0], $0xffff  }
0x2ba: {  	v6 =	vsub.f32 $1.000000000e+00, v7;
	v7 =	vld.idx.msk [tilespmem:v15+s4+$0x0], $0xffff  }
0x2bb: {  	v0 =	vsub.f32 $1.000000000e+00, v0;
	v3 =	vmul.f32 v4, v3;
	v4 =	vld.idx.msk [tilespmem:v21+s4+$0x0], $0xffff  }
0x2bc: {  	[tilespmem:s9+$0xFFFFFF80] =	vst v6;
	v6 =	vld.idx.msk [tilespmem:v18+s4+$0x0], $0xffff  }
0x2bd: {  	v2 =	vmul.f32 v2, v5;
	[tilespmem:s9+$0xFFFFFFD0] =	vst v0;
	v0 =	vsub.f32 $1.000000000e+00, v3;
	v5 =	vld.idx.msk [tilespmem:v26+s4+$0x0], $0xffff  }
0x2be: {  	v9 =	vld.idx.msk [tilespmem:v20+s4+$0x0], $0xffff  }
0x2bf: {  	v2 =	vsub.f32 $1.000000000e+00, v2;
	v1 =	vmul.f32 v1, v8;
	[tilespmem:s9+$0xFFFFFFE0] =	vst v0;
	v8 =	vld.idx.msk [tilespmem:v10+s4+$0x0], $0xffff  }
0x2c0: {  	v0 =	vld.idx.msk [tilespmem:v22+s4+$0x0], $0xffff  }
.Ltmp5:
0x2c1: {  	v4 =	vmul.f32 v4, v7;
	[tilespmem:s9+$0xFFFFFFF0] =	vst v2;
	v2 =	vsub.f32 $1.000000000e+00, v1;
	v3 =	vld.idx.msk [tilespmem:v27+s4+$0x0], $0xffff;
	(pc) =	sbr.rel @p1 .LBB2_13-.Ltmp5, $4  }
0x2c2: {  	v1 =	vld.idx.msk [tilespmem:v23+s4+$0x0], $0xffff  }
0x2c3: {  	v7 =	vsub.f32 $1.000000000e+00, v4;
	v5 =	vmul.f32 v5, v6;
	[tilespmem:s9+$0x0] =	vst v2;
	v4 =	vld.idx.msk [tilespmem:v28+s4+$0x0], $0xffff  }
0x2c4: {  	v2 =	vld.idx.msk [tilespmem:v24+s4+$0x0], $0xffff  }
0x2c5: {  	s11 =	sadd.s32 $0x100, s11;
	v6 =	vsub.f32 $1.000000000e+00, v5;
	[tilespmem:s9+$0x10] =	vst v7;
	v7 =	vmul.f32 v8, v9;
	v5 =	vld.idx.msk [tilespmem:v29+s4+$0x0], $0xffff  }
0x2c6: {  	_ =	sdelay $0x1  }
0x2c7: {  	v0 =	vmul.f32 v3, v0  }
0x2c8: {  	v3 =	vsub.f32 $1.000000000e+00, v7;
	v1 =	vmul.f32 v4, v1  }
0x2c9: {  	[tilespmem:s9+$0x20] =	vst v6;
	v0 =	vsub.f32 $1.000000000e+00, v0;
	v2 =	vmul.f32 v5, v2  }
0x2ca: {  	[tilespmem:s9+$0x30] =	vst v3;
	v1 =	vsub.f32 $1.000000000e+00, v1  }
0x2cb: {  	[tilespmem:s9+$0x40] =	vst v0;
	v0 =	vsub.f32 $1.000000000e+00, v2  }
0x2cc: {  	[tilespmem:s9+$0x50] =	vst v1  }
0x2cd: {  	s10 =	sadd.s32 s8, s18;
	[tilespmem:s9+$0x60] =	vst v0  }
0x2ce: {  	[hbm4b:s10+s22] =	stream.strided.scatter [tilespmem:s20], [sflag:$0x7], $0x2000, s23, s22, $0x38;
	[tilespmem:$0x1D000] =	vst v63  }
0x2cf: {  	_ =	swait.ge [sflag:s29], $0x2000  }
0x2d0: {  	[sflag:s29] =	ssyncset.done $0x0  }
0x2d1: {  	[sflag:s29] =	ssyncadd.s32 $0xFFFFE000  }
0x2d2: {  	_ =	swait.ge [sflag:s21], $0x2000  }
0x2d3: {  	[sflag:s21] =	ssyncset.done $0x0  }
0x2d4: {  	s11 =	simm.s32 $0x11080;
	[sflag:s21] =	ssyncadd.s32 $0xFFFFE000  }
0x2d5: {  	v0 =	vld [tilespmem:s11+$0x70]  }
0x2d6: {  	v1 =	vld [tilespmem:s11+$0xFFFFFF90]  }
0x2d7: {  	v2 =	vld [tilespmem:s11+$0xFFFFFFA0]  }
0x2d8: {  	v3 =	vld [tilespmem:s11+$0xFFFFFFB0]  }
0x2d9: {  	v4 =	vld [tilespmem:s11+$0xFFFFFFC0]  }
0x2da: {  	v5 =	vld [tilespmem:s11+$0xFFFFFFD0]  }
0x2db: {  	v7 =	vld [tilespmem:s11+$0xFFFFFFE0]  }
0x2dc: {  	v8 =	vld [tilespmem:s11+$0xFFFFFFF0]  }
0x2dd: {  	v9 =	vld [tilespmem:s11+$0x0]  }
0x2de: {  	v10 =	vld [tilespmem:s11+$0x10]  }
0x2df: {  	v11 =	vld [tilespmem:s11+$0x20]  }
0x2e0: {  	v13 =	vld [tilespmem:s11+$0x30];
	v6 =	vand.u32 $0xFFFF, v0  }
0x2e1: {  	v14 =	vld [tilespmem:s11+$0x40];
	v0 =	vshrl.u32 v0, $0x10  }
0x2e2: {  	v16 =	vld [tilespmem:s11+$0x50];
	v12 =	vand.u32 $0xFFFF, v1  }
0x2e3: {  	v17 =	vld [tilespmem:s11+$0x60];
	v1 =	vshrl.u32 v1, $0x10  }
0x2e4: {  	v19 =	vld [tilespmem:s11+$0xFFFFFF80];
	v15 =	vand.u32 $0xFFFF, v2  }
0x2e5: {  	v2 =	vshrl.u32 v2, $0x10;
	v6 =	vld.idx.msk [tilespmem:v6+s4+$0x0], $0xffff  }
0x2e6: {  	v18 =	vand.u32 $0xFFFF, v3;
	v0 =	vld.idx.msk [tilespmem:v0+s4+$0x0], $0xffff  }
0x2e7: {  	v3 =	vshrl.u32 v3, $0x10;
	v12 =	vld.idx.msk [tilespmem:v12+s4+$0x0], $0xffff  }
0x2e8: {  	v20 =	vand.u32 $0xFFFF, v4;
	v1 =	vld.idx.msk [tilespmem:v1+s4+$0x0], $0xffff  }
0x2e9: {  	v4 =	vshrl.u32 v4, $0x10;
	v15 =	vld.idx.msk [tilespmem:v15+s4+$0x0], $0xffff  }
0x2ea: {  	v21 =	vand.u32 $0xFFFF, v5;
	v2 =	vld.idx.msk [tilespmem:v2+s4+$0x0], $0xffff  }
0x2eb: {  	v22 =	vand.u32 $0xFFFF, v19;
	v18 =	vld.idx.msk [tilespmem:v18+s4+$0x0], $0xffff  }
0x2ec: {  	v19 =	vshrl.u32 v19, $0x10;
	v3 =	vld.idx.msk [tilespmem:v3+s4+$0x0], $0xffff  }
0x2ed: {  	v5 =	vshrl.u32 v5, $0x10;
	v20 =	vld.idx.msk [tilespmem:v20+s4+$0x0], $0xffff  }
0x2ee: {  	v23 =	vand.u32 $0xFFFF, v7;
	v4 =	vld.idx.msk [tilespmem:v4+s4+$0x0], $0xffff  }
0x2ef: {  	v7 =	vshrl.u32 v7, $0x10;
	v21 =	vld.idx.msk [tilespmem:v21+s4+$0x0], $0xffff  }
0x2f0: {  	v24 =	vand.u32 $0xFFFF, v8;
	v22 =	vld.idx.msk [tilespmem:v22+s4+$0x0], $0xffff  }
0x2f1: {  	v25 =	vand.u32 $0xFFFF, v9;
	v19 =	vld.idx.msk [tilespmem:v19+s4+$0x0], $0xffff  }
0x2f2: {  	v9 =	vshrl.u32 v9, $0x10;
	v5 =	vld.idx.msk [tilespmem:v5+s4+$0x0], $0xffff  }
0x2f3: {  	v8 =	vshrl.u32 v8, $0x10;
	v23 =	vld.idx.msk [tilespmem:v23+s4+$0x0], $0xffff  }
0x2f4: {  	v26 =	vand.u32 $0xFFFF, v10;
	v7 =	vld.idx.msk [tilespmem:v7+s4+$0x0], $0xffff  }
0x2f5: {  	v27 =	vand.u32 $0xFFFF, v11;
	v24 =	vld.idx.msk [tilespmem:v24+s4+$0x0], $0xffff  }
0x2f6: {  	v10 =	vshrl.u32 v10, $0x10;
	v54 =	vld.idx.msk [tilespmem:v25+s4+$0x0], $0xffff;
	v0 =	vmul.f32 v0, v6  }
0x2f7: {  	v55 =	vand.u32 $0xFFFF, v13;
	v13 =	vshrl.u32 v13, $0x10;
	v9 =	vld.idx.msk [tilespmem:v9+s4+$0x0], $0xffff;
	v1 =	vmul.f32 v1, v12  }
0x2f8: {  	v6 =	vld.idx.msk [tilespmem:v8+s4+$0x0], $0xffff;
	v8 =	vshrl.u32 v11, $0x10;
	v2 =	vmul.f32 v2, v15;
	v0 =	vsub.f32 $1.000000000e+00, v0  }
0x2f9: {  	s9 =	simm.s32 $0x17080;
	v56 =	vld.idx.msk [tilespmem:v26+s4+$0x0], $0xffff;
	v3 =	vmul.f32 v3, v18;
	v1 =	vsub.f32 $1.000000000e+00, v1  }
0x2fa: {  	v57 =	vand.u32 $0xFFFF, v14;
	v59 =	vld.idx.msk [tilespmem:v27+s4+$0x0], $0xffff;
	[tilespmem:s9+$0x70] =	vst v0;
	v0 =	vsub.f32 $1.000000000e+00, v2;
	v2 =	vmul.f32 v4, v20  }
0x2fb: {  	v58 =	vshrl.u32 v14, $0x10;
	v4 =	vld.idx.msk [tilespmem:v10+s4+$0x0], $0xffff;
	[tilespmem:s9+$0xFFFFFF90] =	vst v1;
	v1 =	vsub.f32 $1.000000000e+00, v3;
	v3 =	vmul.f32 v19, v22  }
0x2fc: {  	v60 =	vand.u32 $0xFFFF, v16;
	v13 =	vld.idx.msk [tilespmem:v13+s4+$0x0], $0xffff;
	[tilespmem:s9+$0xFFFFFFA0] =	vst v0;
	v0 =	vsub.f32 $1.000000000e+00, v2;
	v2 =	vmul.f32 v5, v21  }
0x2fd: {  	v5 =	vld.idx.msk [tilespmem:v8+s4+$0x0], $0xffff;
	v8 =	vshrl.u32 v16, $0x10;
	[tilespmem:s9+$0xFFFFFFB0] =	vst v1;
	v1 =	vsub.f32 $1.000000000e+00, v3;
	v3 =	vmul.f32 v7, v23  }
0x2fe: {  	v61 =	vand.u32 $0xFFFF, v17;
	v6 =	vmul.f32 v6, v24;
	v7 =	vld.idx.msk [tilespmem:v55+s4+$0x0], $0xffff;
	[tilespmem:s9+$0xFFFFFFC0] =	vst v0;
	v2 =	vsub.f32 $1.000000000e+00, v2  }
0x2ff: {  	v62 =	vshrl.u32 v17, $0x10;
	v9 =	vmul.f32 v9, v54;
	[tilespmem:s9+$0xFFFFFF80] =	vst v1;
	v1 =	vsub.f32 $1.000000000e+00, v3;
	v0 =	vld.idx.msk [tilespmem:v57+s4+$0x0], $0xffff  }
0x300: {  	v3 =	vld.idx.msk [tilespmem:v58+s4+$0x0], $0xffff;
	v4 =	vmul.f32 v4, v56;
	[tilespmem:s9+$0xFFFFFFD0] =	vst v2;
	v2 =	vsub.f32 $1.000000000e+00, v6  }
0x301: {  	[tilespmem:s9+$0xFFFFFFE0] =	vst v1;
	v6 =	vsub.f32 $1.000000000e+00, v9;
	v1 =	vld.idx.msk [tilespmem:v60+s4+$0x0], $0xffff  }
0x302: {  	v63 =	vsub.f32 $1.000000000e+00, v4;
	v5 =	vmul.f32 v5, v59;
	v4 =	vld.idx.msk [tilespmem:v8+s4+$0x0], $0xffff;
	[tilespmem:s9+$0xFFFFFFF0] =	vst v2  }
0x303: {  	[tilespmem:s9+$0x0] =	vst v6;
	v2 =	vld.idx.msk [tilespmem:v61+s4+$0x0], $0xffff  }
0x304: {  	s10 =	simm.s32 $0x0;
	s11 =	simm.s32 $0x11180;
	v7 =	vmul.f32 v13, v7;
	[tilespmem:s9+$0x10] =	vst v63;
	v6 =	vsub.f32 $1.000000000e+00, v5;
	v5 =	vld.idx.msk [tilespmem:v62+s4+$0x0], $0xffff  }
.LBB2_15:
0x305: {  	v8 =	vld [tilespmem:s11+$0x70]  }
0x306: {  	s10 =	sadd.s32 $0x10, s10;
	v0 =	vmul.f32 v3, v0;
	v9 =	vld [tilespmem:s11+$0xFFFFFF90];
	[tilespmem:s9+$0x20] =	vst v6;
	v6 =	vsub.f32 $1.000000000e+00, v7  }
0x307: {  	p1 =	slt.u32 s10, $0x1F0;
	v3 =	vld [tilespmem:s11+$0xFFFFFFA0]  }
0x308: {  	v0 =	vsub.f32 $1.000000000e+00, v0;
	v1 =	vmul.f32 v4, v1;
	v7 =	vld [tilespmem:s11+$0xFFFFFFB0];
	[tilespmem:s9+$0x30] =	vst v6  }
0x309: {  	v4 =	vld [tilespmem:s11+$0xFFFFFFC0]  }
0x30a: {  	v6 =	vld [tilespmem:s11+$0xFFFFFFD0];
	v10 =	vand.u32 $0xFFFF, v8;
	[tilespmem:s9+$0x40] =	vst v0;
	v0 =	vsub.f32 $1.000000000e+00, v1;
	v1 =	vmul.f32 v5, v2  }
0x30b: {  	v8 =	vshrl.u32 v8, $0x10;
	v2 =	vshrl.u32 v9, $0x10;
	v5 =	vand.u32 $0xFFFF, v9;
	v9 =	vld [tilespmem:s11+$0xFFFFFFE0]  }
0x30c: {  	v11 =	vshrl.u32 v3, $0x10;
	v3 =	vand.u32 $0xFFFF, v3;
	v12 =	vld [tilespmem:s11+$0xFFFFFFF0];
	[tilespmem:s9+$0x50] =	vst v0;
	v0 =	vsub.f32 $1.000000000e+00, v1  }
0x30d: {  	v1 =	vshrl.u32 v7, $0x10;
	v7 =	vand.u32 $0xFFFF, v7;
	v13 =	vld [tilespmem:s11+$0x0]  }
0x30e: {  	v14 =	vshrl.u32 v4, $0x10;
	v4 =	vand.u32 $0xFFFF, v4;
	v15 =	vld [tilespmem:s11+$0x10];
	[tilespmem:s9+$0x60] =	vst v0  }
0x30f: {  	v0 =	vshrl.u32 v6, $0x10;
	v6 =	vand.u32 $0xFFFF, v6;
	v10 =	vld.idx.msk [tilespmem:v10+s4+$0x0], $0xffff  }
0x310: {  	v16 =	vshrl.u32 v9, $0x10;
	v9 =	vand.u32 $0xFFFF, v9;
	v8 =	vld.idx.msk [tilespmem:v8+s4+$0x0], $0xffff  }
0x311: {  	v17 =	vshrl.u32 v12, $0x10;
	v12 =	vand.u32 $0xFFFF, v12;
	v18 =	vld [tilespmem:s11+$0x20]  }
0x312: {  	v19 =	vshrl.u32 v13, $0x10;
	v13 =	vand.u32 $0xFFFF, v13;
	v20 =	vld [tilespmem:s11+$0x30]  }
0x313: {  	v21 =	vshrl.u32 v15, $0x10;
	v15 =	vand.u32 $0xFFFF, v15;
	v22 =	vld [tilespmem:s11+$0x40]  }
0x314: {  	v23 =	vld [tilespmem:s11+$0x50]  }
0x315: {  	v24 =	vld [tilespmem:s11+$0x60]  }
0x316: {  	v8 =	vmul.f32 v8, v10;
	v25 =	vld [tilespmem:s11+$0xFFFFFF80];
	v26 =	vshrl.u32 v18, $0x10;
	v18 =	vand.u32 $0xFFFF, v18  }
0x317: {  	v5 =	vld.idx.msk [tilespmem:v5+s4+$0x0], $0xffff;
	v10 =	vshrl.u32 v20, $0x10;
	v20 =	vand.u32 $0xFFFF, v20  }
0x318: {  	v8 =	vsub.f32 $1.000000000e+00, v8;
	v2 =	vld.idx.msk [tilespmem:v2+s4+$0x0], $0xffff;
	v27 =	vshrl.u32 v22, $0x10;
	v22 =	vand.u32 $0xFFFF, v22  }
0x319: {  	s9 =	sadd.s32 $0x100, s9;
	v3 =	vld.idx.msk [tilespmem:v3+s4+$0x0], $0xffff;
	v28 =	vshrl.u32 v23, $0x10;
	v23 =	vand.u32 $0xFFFF, v23  }
0x31a: {  	v11 =	vld.idx.msk [tilespmem:v11+s4+$0x0], $0xffff;
	v29 =	vshrl.u32 v24, $0x10;
	v24 =	vand.u32 $0xFFFF, v24;
	[tilespmem:s9+$0x70] =	vst v8  }
0x31b: {  	v8 =	vshrl.u32 v25, $0x10;
	v25 =	vand.u32 $0xFFFF, v25;
	v7 =	vld.idx.msk [tilespmem:v7+s4+$0x0], $0xffff  }
0x31c: {  	v1 =	vld.idx.msk [tilespmem:v1+s4+$0x0], $0xffff  }
0x31d: {  	v4 =	vld.idx.msk [tilespmem:v4+s4+$0x0], $0xffff  }
0x31e: {  	v2 =	vmul.f32 v2, v5;
	v5 =	vld.idx.msk [tilespmem:v14+s4+$0x0], $0xffff  }
0x31f: {  	v6 =	vld.idx.msk [tilespmem:v6+s4+$0x0], $0xffff  }
0x320: {  	v2 =	vsub.f32 $1.000000000e+00, v2;
	v3 =	vmul.f32 v11, v3;
	v14 =	vld.idx.msk [tilespmem:v25+s4+$0x0], $0xffff  }
0x321: {  	v8 =	vld.idx.msk [tilespmem:v8+s4+$0x0], $0xffff  }
0x322: {  	v1 =	vmul.f32 v1, v7;
	[tilespmem:s9+$0xFFFFFF90] =	vst v2;
	v2 =	vsub.f32 $1.000000000e+00, v3;
	v0 =	vld.idx.msk [tilespmem:v0+s4+$0x0], $0xffff  }
0x323: {  	v3 =	vld.idx.msk [tilespmem:v9+s4+$0x0], $0xffff  }
0x324: {  	v1 =	vsub.f32 $1.000000000e+00, v1;
	[tilespmem:s9+$0xFFFFFFA0] =	vst v2;
	v2 =	vmul.f32 v5, v4;
	v4 =	vld.idx.msk [tilespmem:v16+s4+$0x0], $0xffff  }
0x325: {  	v5 =	vld.idx.msk [tilespmem:v12+s4+$0x0], $0xffff  }
0x326: {  	[tilespmem:s9+$0xFFFFFFB0] =	vst v1;
	v1 =	vsub.f32 $1.000000000e+00, v2;
	v2 =	vld.idx.msk [tilespmem:v17+s4+$0x0], $0xffff  }
0x327: {  	v7 =	vmul.f32 v8, v14;
	v8 =	vld.idx.msk [tilespmem:v13+s4+$0x0], $0xffff  }
0x328: {  	v0 =	vmul.f32 v0, v6;
	[tilespmem:s9+$0xFFFFFFC0] =	vst v1;
	v1 =	vld.idx.msk [tilespmem:v19+s4+$0x0], $0xffff  }
0x329: {  	v6 =	vsub.f32 $1.000000000e+00, v7;
	v7 =	vld.idx.msk [tilespmem:v15+s4+$0x0], $0xffff  }
0x32a: {  	v0 =	vsub.f32 $1.000000000e+00, v0;
	v3 =	vmul.f32 v4, v3;
	v4 =	vld.idx.msk [tilespmem:v21+s4+$0x0], $0xffff  }
0x32b: {  	[tilespmem:s9+$0xFFFFFF80] =	vst v6;
	v6 =	vld.idx.msk [tilespmem:v18+s4+$0x0], $0xffff  }
0x32c: {  	v2 =	vmul.f32 v2, v5;
	[tilespmem:s9+$0xFFFFFFD0] =	vst v0;
	v0 =	vsub.f32 $1.000000000e+00, v3;
	v5 =	vld.idx.msk [tilespmem:v26+s4+$0x0], $0xffff  }
0x32d: {  	v9 =	vld.idx.msk [tilespmem:v20+s4+$0x0], $0xffff  }
0x32e: {  	v2 =	vsub.f32 $1.000000000e+00, v2;
	v1 =	vmul.f32 v1, v8;
	[tilespmem:s9+$0xFFFFFFE0] =	vst v0;
	v8 =	vld.idx.msk [tilespmem:v10+s4+$0x0], $0xffff  }
0x32f: {  	v0 =	vld.idx.msk [tilespmem:v22+s4+$0x0], $0xffff  }
.Ltmp6:
0x330: {  	v4 =	vmul.f32 v4, v7;
	[tilespmem:s9+$0xFFFFFFF0] =	vst v2;
	v2 =	vsub.f32 $1.000000000e+00, v1;
	v3 =	vld.idx.msk [tilespmem:v27+s4+$0x0], $0xffff;
	(pc) =	sbr.rel @p1 .LBB2_15-.Ltmp6, $4  }
0x331: {  	v1 =	vld.idx.msk [tilespmem:v23+s4+$0x0], $0xffff  }
0x332: {  	v7 =	vsub.f32 $1.000000000e+00, v4;
	v5 =	vmul.f32 v5, v6;
	[tilespmem:s9+$0x0] =	vst v2;
	v4 =	vld.idx.msk [tilespmem:v28+s4+$0x0], $0xffff  }
0x333: {  	v2 =	vld.idx.msk [tilespmem:v24+s4+$0x0], $0xffff  }
0x334: {  	s11 =	sadd.s32 $0x100, s11;
	v6 =	vsub.f32 $1.000000000e+00, v5;
	[tilespmem:s9+$0x10] =	vst v7;
	v7 =	vmul.f32 v8, v9;
	v5 =	vld.idx.msk [tilespmem:v29+s4+$0x0], $0xffff  }
0x335: {  	_ =	sdelay $0x1  }
0x336: {  	v0 =	vmul.f32 v3, v0  }
0x337: {  	v3 =	vsub.f32 $1.000000000e+00, v7;
	v1 =	vmul.f32 v4, v1  }
0x338: {  	[tilespmem:s9+$0x20] =	vst v6;
	v0 =	vsub.f32 $1.000000000e+00, v0;
	v2 =	vmul.f32 v5, v2  }
0x339: {  	[tilespmem:s9+$0x30] =	vst v3;
	v1 =	vsub.f32 $1.000000000e+00, v1  }
0x33a: {  	[tilespmem:s9+$0x40] =	vst v0;
	v0 =	vsub.f32 $1.000000000e+00, v2  }
0x33b: {  	[tilespmem:s9+$0x50] =	vst v1  }
0x33c: {  	s8 =	sadd.s32 s8, s19;
	[tilespmem:s9+$0x60] =	vst v0  }
0x33d: {  	[hbm4b:s8+s22] =	stream.strided.scatter [tilespmem:s30], [sflag:$0x5], $0x2000, s23, s22, $0x38;
	[tilespmem:$0x1D000] =	vst v63  }
0x33e: {  	_ =	swait.ge [sflag:s31], $0x2000  }
0x33f: {  	[sflag:s31] =	ssyncset.done $0x0  }
0x340: {  	[sflag:s31] =	ssyncadd.s32 $0xFFFFE000  }
0x341: {  	_ =	swait.ge [sflag:s1], $0x2000  }
0x342: {  	[sflag:s1] =	ssyncset.done $0x0  }
0x343: {  	s11 =	simm.s32 $0x13080;
	[sflag:s1] =	ssyncadd.s32 $0xFFFFE000  }
0x344: {  	v0 =	vld [tilespmem:s11+$0x70]  }
0x345: {  	v1 =	vld [tilespmem:s11+$0xFFFFFF90]  }
0x346: {  	v2 =	vld [tilespmem:s11+$0xFFFFFFA0]  }
0x347: {  	v3 =	vld [tilespmem:s11+$0xFFFFFFB0]  }
0x348: {  	v4 =	vld [tilespmem:s11+$0xFFFFFFC0]  }
0x349: {  	v5 =	vld [tilespmem:s11+$0xFFFFFFD0]  }
0x34a: {  	v7 =	vld [tilespmem:s11+$0xFFFFFFE0]  }
0x34b: {  	v8 =	vld [tilespmem:s11+$0xFFFFFFF0]  }
0x34c: {  	v9 =	vld [tilespmem:s11+$0x0]  }
0x34d: {  	v10 =	vld [tilespmem:s11+$0x10]  }
0x34e: {  	v11 =	vld [tilespmem:s11+$0x20]  }
0x34f: {  	v13 =	vld [tilespmem:s11+$0x30];
	v6 =	vand.u32 $0xFFFF, v0  }
0x350: {  	v14 =	vld [tilespmem:s11+$0x40];
	v0 =	vshrl.u32 v0, $0x10  }
0x351: {  	v16 =	vld [tilespmem:s11+$0x50];
	v12 =	vand.u32 $0xFFFF, v1  }
0x352: {  	v17 =	vld [tilespmem:s11+$0x60];
	v1 =	vshrl.u32 v1, $0x10  }
0x353: {  	v19 =	vld [tilespmem:s11+$0xFFFFFF80];
	v15 =	vand.u32 $0xFFFF, v2  }
0x354: {  	v2 =	vshrl.u32 v2, $0x10;
	v6 =	vld.idx.msk [tilespmem:v6+s4+$0x0], $0xffff  }
0x355: {  	v18 =	vand.u32 $0xFFFF, v3;
	v0 =	vld.idx.msk [tilespmem:v0+s4+$0x0], $0xffff  }
0x356: {  	v3 =	vshrl.u32 v3, $0x10;
	v12 =	vld.idx.msk [tilespmem:v12+s4+$0x0], $0xffff  }
0x357: {  	v20 =	vand.u32 $0xFFFF, v4;
	v1 =	vld.idx.msk [tilespmem:v1+s4+$0x0], $0xffff  }
0x358: {  	v4 =	vshrl.u32 v4, $0x10;
	v15 =	vld.idx.msk [tilespmem:v15+s4+$0x0], $0xffff  }
0x359: {  	v21 =	vand.u32 $0xFFFF, v5;
	v2 =	vld.idx.msk [tilespmem:v2+s4+$0x0], $0xffff  }
0x35a: {  	v22 =	vand.u32 $0xFFFF, v19;
	v18 =	vld.idx.msk [tilespmem:v18+s4+$0x0], $0xffff  }
0x35b: {  	v19 =	vshrl.u32 v19, $0x10;
	v3 =	vld.idx.msk [tilespmem:v3+s4+$0x0], $0xffff  }
0x35c: {  	v5 =	vshrl.u32 v5, $0x10;
	v20 =	vld.idx.msk [tilespmem:v20+s4+$0x0], $0xffff  }
0x35d: {  	v23 =	vand.u32 $0xFFFF, v7;
	v4 =	vld.idx.msk [tilespmem:v4+s4+$0x0], $0xffff  }
0x35e: {  	v7 =	vshrl.u32 v7, $0x10;
	v21 =	vld.idx.msk [tilespmem:v21+s4+$0x0], $0xffff  }
0x35f: {  	v24 =	vand.u32 $0xFFFF, v8;
	v22 =	vld.idx.msk [tilespmem:v22+s4+$0x0], $0xffff  }
0x360: {  	v25 =	vand.u32 $0xFFFF, v9;
	v19 =	vld.idx.msk [tilespmem:v19+s4+$0x0], $0xffff  }
0x361: {  	v9 =	vshrl.u32 v9, $0x10;
	v5 =	vld.idx.msk [tilespmem:v5+s4+$0x0], $0xffff  }
0x362: {  	v8 =	vshrl.u32 v8, $0x10;
	v23 =	vld.idx.msk [tilespmem:v23+s4+$0x0], $0xffff  }
0x363: {  	v26 =	vand.u32 $0xFFFF, v10;
	v7 =	vld.idx.msk [tilespmem:v7+s4+$0x0], $0xffff  }
0x364: {  	v27 =	vand.u32 $0xFFFF, v11;
	v24 =	vld.idx.msk [tilespmem:v24+s4+$0x0], $0xffff  }
0x365: {  	v10 =	vshrl.u32 v10, $0x10;
	v54 =	vld.idx.msk [tilespmem:v25+s4+$0x0], $0xffff;
	v0 =	vmul.f32 v0, v6  }
0x366: {  	v55 =	vand.u32 $0xFFFF, v13;
	v13 =	vshrl.u32 v13, $0x10;
	v9 =	vld.idx.msk [tilespmem:v9+s4+$0x0], $0xffff;
	v1 =	vmul.f32 v1, v12  }
0x367: {  	v6 =	vld.idx.msk [tilespmem:v8+s4+$0x0], $0xffff;
	v8 =	vshrl.u32 v11, $0x10;
	v2 =	vmul.f32 v2, v15;
	v0 =	vsub.f32 $1.000000000e+00, v0  }
0x368: {  	s8 =	simm.s32 $0x19080;
	v56 =	vld.idx.msk [tilespmem:v26+s4+$0x0], $0xffff;
	v3 =	vmul.f32 v3, v18;
	v1 =	vsub.f32 $1.000000000e+00, v1  }
0x369: {  	v57 =	vand.u32 $0xFFFF, v14;
	v59 =	vld.idx.msk [tilespmem:v27+s4+$0x0], $0xffff;
	[tilespmem:s8+$0x70] =	vst v0;
	v0 =	vsub.f32 $1.000000000e+00, v2;
	v2 =	vmul.f32 v4, v20  }
0x36a: {  	v58 =	vshrl.u32 v14, $0x10;
	v4 =	vld.idx.msk [tilespmem:v10+s4+$0x0], $0xffff;
	[tilespmem:s8+$0xFFFFFF90] =	vst v1;
	v1 =	vsub.f32 $1.000000000e+00, v3;
	v3 =	vmul.f32 v19, v22  }
0x36b: {  	v60 =	vand.u32 $0xFFFF, v16;
	v13 =	vld.idx.msk [tilespmem:v13+s4+$0x0], $0xffff;
	[tilespmem:s8+$0xFFFFFFA0] =	vst v0;
	v0 =	vsub.f32 $1.000000000e+00, v2;
	v2 =	vmul.f32 v5, v21  }
0x36c: {  	v5 =	vld.idx.msk [tilespmem:v8+s4+$0x0], $0xffff;
	v8 =	vshrl.u32 v16, $0x10;
	[tilespmem:s8+$0xFFFFFFB0] =	vst v1;
	v1 =	vsub.f32 $1.000000000e+00, v3;
	v3 =	vmul.f32 v7, v23  }
0x36d: {  	v61 =	vand.u32 $0xFFFF, v17;
	v6 =	vmul.f32 v6, v24;
	v7 =	vld.idx.msk [tilespmem:v55+s4+$0x0], $0xffff;
	[tilespmem:s8+$0xFFFFFFC0] =	vst v0;
	v2 =	vsub.f32 $1.000000000e+00, v2  }
0x36e: {  	v62 =	vshrl.u32 v17, $0x10;
	v9 =	vmul.f32 v9, v54;
	[tilespmem:s8+$0xFFFFFF80] =	vst v1;
	v1 =	vsub.f32 $1.000000000e+00, v3;
	v0 =	vld.idx.msk [tilespmem:v57+s4+$0x0], $0xffff  }
0x36f: {  	v3 =	vld.idx.msk [tilespmem:v58+s4+$0x0], $0xffff;
	v4 =	vmul.f32 v4, v56;
	[tilespmem:s8+$0xFFFFFFD0] =	vst v2;
	v2 =	vsub.f32 $1.000000000e+00, v6  }
0x370: {  	[tilespmem:s8+$0xFFFFFFE0] =	vst v1;
	v6 =	vsub.f32 $1.000000000e+00, v9;
	v1 =	vld.idx.msk [tilespmem:v60+s4+$0x0], $0xffff  }
0x371: {  	v63 =	vsub.f32 $1.000000000e+00, v4;
	v5 =	vmul.f32 v5, v59;
	v4 =	vld.idx.msk [tilespmem:v8+s4+$0x0], $0xffff;
	[tilespmem:s8+$0xFFFFFFF0] =	vst v2  }
0x372: {  	[tilespmem:s8+$0x0] =	vst v6;
	v2 =	vld.idx.msk [tilespmem:v61+s4+$0x0], $0xffff  }
0x373: {  	s10 =	simm.s32 $0x13180;
	s9 =	simm.s32 $0x0;
	v7 =	vmul.f32 v13, v7;
	[tilespmem:s8+$0x10] =	vst v63;
	v6 =	vsub.f32 $1.000000000e+00, v5;
	v5 =	vld.idx.msk [tilespmem:v62+s4+$0x0], $0xffff  }
.LBB2_17:
0x374: {  	v8 =	vld [tilespmem:s10+$0x70]  }
0x375: {  	s9 =	sadd.s32 $0x10, s9;
	v0 =	vmul.f32 v3, v0;
	v9 =	vld [tilespmem:s10+$0xFFFFFF90];
	[tilespmem:s8+$0x20] =	vst v6;
	v6 =	vsub.f32 $1.000000000e+00, v7  }
0x376: {  	p1 =	slt.u32 s9, $0x1F0;
	v3 =	vld [tilespmem:s10+$0xFFFFFFA0]  }
0x377: {  	v0 =	vsub.f32 $1.000000000e+00, v0;
	v1 =	vmul.f32 v4, v1;
	v7 =	vld [tilespmem:s10+$0xFFFFFFB0];
	[tilespmem:s8+$0x30] =	vst v6  }
0x378: {  	v4 =	vld [tilespmem:s10+$0xFFFFFFC0]  }
0x379: {  	v6 =	vld [tilespmem:s10+$0xFFFFFFD0];
	v10 =	vand.u32 $0xFFFF, v8;
	[tilespmem:s8+$0x40] =	vst v0;
	v0 =	vsub.f32 $1.000000000e+00, v1;
	v1 =	vmul.f32 v5, v2  }
0x37a: {  	v8 =	vshrl.u32 v8, $0x10;
	v2 =	vshrl.u32 v9, $0x10;
	v5 =	vand.u32 $0xFFFF, v9;
	v9 =	vld [tilespmem:s10+$0xFFFFFFE0]  }
0x37b: {  	v11 =	vshrl.u32 v3, $0x10;
	v3 =	vand.u32 $0xFFFF, v3;
	v12 =	vld [tilespmem:s10+$0xFFFFFFF0];
	[tilespmem:s8+$0x50] =	vst v0;
	v0 =	vsub.f32 $1.000000000e+00, v1  }
0x37c: {  	v1 =	vshrl.u32 v7, $0x10;
	v7 =	vand.u32 $0xFFFF, v7;
	v13 =	vld [tilespmem:s10+$0x0]  }
0x37d: {  	v14 =	vshrl.u32 v4, $0x10;
	v4 =	vand.u32 $0xFFFF, v4;
	v15 =	vld [tilespmem:s10+$0x10];
	[tilespmem:s8+$0x60] =	vst v0  }
0x37e: {  	v0 =	vshrl.u32 v6, $0x10;
	v6 =	vand.u32 $0xFFFF, v6;
	v10 =	vld.idx.msk [tilespmem:v10+s4+$0x0], $0xffff  }
0x37f: {  	v16 =	vshrl.u32 v9, $0x10;
	v9 =	vand.u32 $0xFFFF, v9;
	v8 =	vld.idx.msk [tilespmem:v8+s4+$0x0], $0xffff  }
0x380: {  	v17 =	vshrl.u32 v12, $0x10;
	v12 =	vand.u32 $0xFFFF, v12;
	v18 =	vld [tilespmem:s10+$0x20]  }
0x381: {  	v19 =	vshrl.u32 v13, $0x10;
	v13 =	vand.u32 $0xFFFF, v13;
	v20 =	vld [tilespmem:s10+$0x30]  }
0x382: {  	v21 =	vshrl.u32 v15, $0x10;
	v15 =	vand.u32 $0xFFFF, v15;
	v22 =	vld [tilespmem:s10+$0x40]  }
0x383: {  	v23 =	vld [tilespmem:s10+$0x50]  }
0x384: {  	v24 =	vld [tilespmem:s10+$0x60]  }
0x385: {  	v8 =	vmul.f32 v8, v10;
	v25 =	vld [tilespmem:s10+$0xFFFFFF80];
	v26 =	vshrl.u32 v18, $0x10;
	v18 =	vand.u32 $0xFFFF, v18  }
0x386: {  	v5 =	vld.idx.msk [tilespmem:v5+s4+$0x0], $0xffff;
	v10 =	vshrl.u32 v20, $0x10;
	v20 =	vand.u32 $0xFFFF, v20  }
0x387: {  	v8 =	vsub.f32 $1.000000000e+00, v8;
	v2 =	vld.idx.msk [tilespmem:v2+s4+$0x0], $0xffff;
	v27 =	vshrl.u32 v22, $0x10;
	v22 =	vand.u32 $0xFFFF, v22  }
0x388: {  	s8 =	sadd.s32 $0x100, s8;
	v3 =	vld.idx.msk [tilespmem:v3+s4+$0x0], $0xffff;
	v28 =	vshrl.u32 v23, $0x10;
	v23 =	vand.u32 $0xFFFF, v23  }
0x389: {  	v11 =	vld.idx.msk [tilespmem:v11+s4+$0x0], $0xffff;
	v29 =	vshrl.u32 v24, $0x10;
	v24 =	vand.u32 $0xFFFF, v24;
	[tilespmem:s8+$0x70] =	vst v8  }
0x38a: {  	v8 =	vshrl.u32 v25, $0x10;
	v25 =	vand.u32 $0xFFFF, v25;
	v7 =	vld.idx.msk [tilespmem:v7+s4+$0x0], $0xffff  }
0x38b: {  	v1 =	vld.idx.msk [tilespmem:v1+s4+$0x0], $0xffff  }
0x38c: {  	v4 =	vld.idx.msk [tilespmem:v4+s4+$0x0], $0xffff  }
0x38d: {  	v2 =	vmul.f32 v2, v5;
	v5 =	vld.idx.msk [tilespmem:v14+s4+$0x0], $0xffff  }
0x38e: {  	v6 =	vld.idx.msk [tilespmem:v6+s4+$0x0], $0xffff  }
0x38f: {  	v2 =	vsub.f32 $1.000000000e+00, v2;
	v3 =	vmul.f32 v11, v3;
	v14 =	vld.idx.msk [tilespmem:v25+s4+$0x0], $0xffff  }
0x390: {  	v8 =	vld.idx.msk [tilespmem:v8+s4+$0x0], $0xffff  }
0x391: {  	v1 =	vmul.f32 v1, v7;
	[tilespmem:s8+$0xFFFFFF90] =	vst v2;
	v2 =	vsub.f32 $1.000000000e+00, v3;
	v0 =	vld.idx.msk [tilespmem:v0+s4+$0x0], $0xffff  }
0x392: {  	v3 =	vld.idx.msk [tilespmem:v9+s4+$0x0], $0xffff  }
0x393: {  	v1 =	vsub.f32 $1.000000000e+00, v1;
	[tilespmem:s8+$0xFFFFFFA0] =	vst v2;
	v2 =	vmul.f32 v5, v4;
	v4 =	vld.idx.msk [tilespmem:v16+s4+$0x0], $0xffff  }
0x394: {  	v5 =	vld.idx.msk [tilespmem:v12+s4+$0x0], $0xffff  }
0x395: {  	[tilespmem:s8+$0xFFFFFFB0] =	vst v1;
	v1 =	vsub.f32 $1.000000000e+00, v2;
	v2 =	vld.idx.msk [tilespmem:v17+s4+$0x0], $0xffff  }
0x396: {  	v7 =	vmul.f32 v8, v14;
	v8 =	vld.idx.msk [tilespmem:v13+s4+$0x0], $0xffff  }
0x397: {  	v0 =	vmul.f32 v0, v6;
	[tilespmem:s8+$0xFFFFFFC0] =	vst v1;
	v1 =	vld.idx.msk [tilespmem:v19+s4+$0x0], $0xffff  }
0x398: {  	v6 =	vsub.f32 $1.000000000e+00, v7;
	v7 =	vld.idx.msk [tilespmem:v15+s4+$0x0], $0xffff  }
0x399: {  	v0 =	vsub.f32 $1.000000000e+00, v0;
	v3 =	vmul.f32 v4, v3;
	v4 =	vld.idx.msk [tilespmem:v21+s4+$0x0], $0xffff  }
0x39a: {  	[tilespmem:s8+$0xFFFFFF80] =	vst v6;
	v6 =	vld.idx.msk [tilespmem:v18+s4+$0x0], $0xffff  }
0x39b: {  	v2 =	vmul.f32 v2, v5;
	[tilespmem:s8+$0xFFFFFFD0] =	vst v0;
	v0 =	vsub.f32 $1.000000000e+00, v3;
	v5 =	vld.idx.msk [tilespmem:v26+s4+$0x0], $0xffff  }
0x39c: {  	v9 =	vld.idx.msk [tilespmem:v20+s4+$0x0], $0xffff  }
0x39d: {  	v2 =	vsub.f32 $1.000000000e+00, v2;
	v1 =	vmul.f32 v1, v8;
	[tilespmem:s8+$0xFFFFFFE0] =	vst v0;
	v8 =	vld.idx.msk [tilespmem:v10+s4+$0x0], $0xffff  }
0x39e: {  	v0 =	vld.idx.msk [tilespmem:v22+s4+$0x0], $0xffff  }
.Ltmp7:
0x39f: {  	v4 =	vmul.f32 v4, v7;
	[tilespmem:s8+$0xFFFFFFF0] =	vst v2;
	v2 =	vsub.f32 $1.000000000e+00, v1;
	v3 =	vld.idx.msk [tilespmem:v27+s4+$0x0], $0xffff;
	(pc) =	sbr.rel @p1 .LBB2_17-.Ltmp7, $4  }
0x3a0: {  	v1 =	vld.idx.msk [tilespmem:v23+s4+$0x0], $0xffff  }
0x3a1: {  	v7 =	vsub.f32 $1.000000000e+00, v4;
	v5 =	vmul.f32 v5, v6;
	[tilespmem:s8+$0x0] =	vst v2;
	v4 =	vld.idx.msk [tilespmem:v28+s4+$0x0], $0xffff  }
0x3a2: {  	v2 =	vld.idx.msk [tilespmem:v24+s4+$0x0], $0xffff  }
0x3a3: {  	s10 =	sadd.s32 $0x100, s10;
	v6 =	vsub.f32 $1.000000000e+00, v5;
	[tilespmem:s8+$0x10] =	vst v7;
	v7 =	vmul.f32 v8, v9;
	v5 =	vld.idx.msk [tilespmem:v29+s4+$0x0], $0xffff  }
0x3a4: {  	_ =	sdelay $0x1  }
0x3a5: {  	v0 =	vmul.f32 v3, v0  }
0x3a6: {  	v62 =	vsub.f32 $1.000000000e+00, v7;
	v1 =	vmul.f32 v4, v1  }
0x3a7: {  	[tilespmem:s8+$0x20] =	vst v6;
	v0 =	vsub.f32 $1.000000000e+00, v0;
	v2 =	vmul.f32 v5, v2  }
0x3a8: {  	s6 =	sor.u32 s7, s6;
	[tilespmem:s8+$0x30] =	vst v62;
	v1 =	vsub.f32 $1.000000000e+00, v1  }
0x3a9: {  	s6 =	sshrl.u32 s6, $0x3;
	[tilespmem:s8+$0x40] =	vst v0;
	v63 =	vsub.f32 $1.000000000e+00, v2  }
0x3aa: {  	s6 =	sor.u32 $0xE000, s6;
	[tilespmem:s8+$0x50] =	vst v1  }
0x3ab: {  	s6 =	sadd.s32 s12, s6;
	[tilespmem:s8+$0x60] =	vst v63  }
0x3ac: {  	[hbm4b:s6+s22] =	stream.strided.scatter [tilespmem:s0], [sflag:$0x6], $0x2000, s23, s22, $0x38;
	[tilespmem:$0x1D000] =	vst v63  }
0x3ad: {  	_ =	swait.ge [sflag:s3], $0x2000  }
0x3ae: {  	[sflag:s3] =	ssyncset.done $0x0  }
0x3af: {  	s2 =	sadd.s32 $0x1, s2;
	[sflag:s3] =	ssyncadd.s32 $0xFFFFE000  }
0x3b0: {  	p1 =	sne.s32 s2, $0x8;
	_ =	swait.ge [sflag:s21], $0x2000  }
.Ltmp8:
0x3b1: {  	[sflag:s21] =	ssyncset.done $0x0;
	(pc) =	sbr.rel @p1 .LBB2_2-.Ltmp8, $4  }
0x3b2: {  	[sflag:s21] =	ssyncadd.s32 $0xFFFFE000  }
0x3b3: {  	_ =	swait.ge [sflag:s1], $0x2000  }
0x3b4: {  	[sflag:s1] =	ssyncset.done $0x0  }
0x3b5: {  	[sflag:s1] =	ssyncadd.s32 $0xFFFFE000  }
0x3b6: {  	s6 =	rddreg [dreg:$0xf]  }
0x3b7: {  	s2 =	rddreg [dreg:$0xd];
	s6 =	sadd.s32 $0x1, s6  }
0x3b8: {  	p1 =	sne.s32 s6, s2  }
.Ltmp9:
0x3b9: {  	_ = 	snop;
	(pc) =	sbr.rel @p1 .LBB2_1-.Ltmp9, $1  }
0x3ba: {  	_ =	sdelay $0x3  }
0x3bb: {  	_ =	sfence.sel $0x180000  }
0x3bc: {  	[bflag:$0x0] =	sbarrier.arrive $0xFFFF  }
0x3bd: {  	_ =	strace $0x90000047  }
0x3be: {  	[bflag:$0x2] =	sbarrier.arrive $0xFFFF  }
0x3bf: {  	s0 =	rddreg [dreg:$0x4]  }
0x3c0: {  	s0 =	sadd.s32 @!p0 $0x100000, s0  }
0x3c1: {  	[sflag:s0] =	ssyncadd.tile.s32 @!p0 $0x1;
	_ =	shalt  }
.Lfunc_end2:
_tile_overlayer_lowered:
.L_overlay_start_2:
0x3c2: {  	(tag) =	ssettag $0x2  }
0x3c3: {  	s0 =	rddreg [dreg:$0x0];
	s2 =	stileid.u32  }
0x3c4: {  	s1 =	rddreg [dreg:$0x1];
	p0 =	sne.s32 s2, $0x0  }
0x3c5: {  	s3 =	rddreg [dreg:$0x2];
	[bflag:$0x3] =	sbarrier.arrive $0xFFFF;
	s2 =	simm.s32 @!p0 $0x1C08  }
0x3c6: {  	[timem:s3], [sflag:s2] =	dma.local @!p0 [hbm:s0], s1  }
0x3c7: {  	s0 =	simm.s32 @!p0 $0x8  }
0x3c8: {  	_ =	swait.ge @!p0 [sflag:s0], s1  }
0x3c9: {  	s1 =	ssub.s32 @!p0 $0x0, s1;
	[sflag:s0] =	ssyncset.done @!p0 $0x0  }
0x3ca: {  	[sflag:s0] =	ssyncadd.s32 @!p0 s1  }
0x3cb: {  	[bflag:$0x3] =	sbarrier.arrive $0xFFFF  }
0x3cc: {  	_ =	shalt  }

</sc_bundles>
